<compile_context>
chip_gen: v7x
topology: tpu7x:2x2x1
jax: 0.10.2.dev20260603
libtpu: 0.0.44.dev20260713+nightly
codegen_flags: <defaults>
</compile_context>

<pallas_src>
import functools

import jax
import jax.numpy as jnp
from jax import lax
from jax.experimental import pallas as pl
from jax.experimental.pallas import tpu as pltpu
from jax.experimental.pallas import tpu_sc as plsc

BATCH = 4096
SEQ = 200
EMBED = 32
NUM_INDICES = BATCH * SEQ

NC, NS = 2, 16
NW = NC * NS
PER_WORKER = NUM_INDICES // NW

GATHER = 128
GROUP = 10
ROWS_PER_STEP = GATHER * GROUP
STEPS = PER_WORKER // ROWS_PER_STEP
IDX_ROWS_PER_W = PER_WORKER // GATHER


def _table_add_body(t_ref, p_ref, o_ref):
    o_ref[...] = t_ref[...] + p_ref[...]


def _combined_table(token_table, pos_table):
    v, d = token_table.shape
    blk = 5000
    return pl.pallas_call(
        _table_add_body,
        grid=(v // blk,),
        in_specs=[pl.BlockSpec((blk, d), lambda i: (i, 0))] * 2,
        out_specs=pl.BlockSpec((blk, d), lambda i: (i, 0)),
        out_shape=jax.ShapeDtypeStruct((v, d), jnp.float32),
    )(token_table, pos_table)


_MESH = plsc.VectorSubcoreMesh(core_axis_name="c", subcore_axis_name="s")


@functools.partial(
    pl.kernel,
    out_type=jax.ShapeDtypeStruct((NUM_INDICES, 128), jnp.float32),
    mesh=_MESH,
    scratch_types=[
        pltpu.VMEM((GROUP, GATHER), jnp.int32),
        pltpu.VMEM((ROWS_PER_STEP, EMBED), jnp.float32),
        pltpu.VMEM((ROWS_PER_STEP, EMBED), jnp.float32),
        pltpu.SemaphoreType.DMA,
        pltpu.SemaphoreType.DMA,
        pltpu.SemaphoreType.DMA,
    ],
    compiler_params=pltpu.CompilerParams(use_tc_tiling_on_sc=False),
)
def _sc_gather(table_hbm, idx_hbm, out_hbm, idx_v, rows_a, rows_b, sem_g,
               sem_oa, sem_ob):
    wid = lax.axis_index("s") * NC + lax.axis_index("c")
    row0 = wid * IDX_ROWS_PER_W

    def substep(i, rows_v, sem_o):
        r = row0 + i * GROUP
        @pl.when(i >= 2)
        def _():
            pltpu.make_async_copy(
                rows_v,
                out_hbm.at[pl.ds(0, ROWS_PER_STEP), pl.ds(0, EMBED)],
                sem_o,
            ).wait()

        pltpu.sync_copy(idx_hbm.at[pl.ds(r, GROUP)], idx_v)
        copies = [
            pltpu.async_copy(
                table_hbm.at[idx_v.at[j]],
                rows_v.at[pl.ds(j * GATHER, GATHER)],
                sem_g,
            )
            for j in range(GROUP)
        ]
        for c in copies:
            c.wait()
        pltpu.async_copy(
            rows_v,
            out_hbm.at[pl.ds(r * GATHER, ROWS_PER_STEP), pl.ds(0, EMBED)],
            sem_o,
        )

    def pair(p, carry):
        substep(2 * p, rows_a, sem_oa)
        substep(2 * p + 1, rows_b, sem_ob)
        return carry

    lax.fori_loop(0, STEPS // 2, pair, 0)

    for rows_v, sem_o in ((rows_a, sem_oa), (rows_b, sem_ob)):
        pltpu.make_async_copy(
            rows_v,
            out_hbm.at[pl.ds(0, ROWS_PER_STEP), pl.ds(0, EMBED)],
            sem_o,
        ).wait()


def kernel(raw_input, token_table, pos_table):
    tok = token_table.reshape(-1, 128)
    pos = pos_table.reshape(-1, 128)
    combined = _combined_table(tok, pos).reshape(-1, EMBED)
    idx = raw_input.astype(jnp.int32).reshape(NUM_INDICES // GATHER, GATHER)
    out = _sc_gather(combined, idx)
    return out[:, :EMBED].reshape(BATCH, SEQ, EMBED)

# --- scband reference (transcript-rebuilt; emitter-appended) ---
"""Pipeline reference for scband-custom-transformer-12017318494511 (READ-ONLY COPY).

The authoritative reference and input builder live on the scoring server;
editing this copy changes nothing except your own understanding.
"""

import jax, jax.numpy as jnp
import numpy as np

DICT_SIZE = 100000
CONTEXT_WINDOW_SIZE = 100000
EMBED_DIM = 32
BATCH = 4096
SEQ = 200


def setup_inputs(seed: int = 0) -> dict:
    key = jax.random.key(seed)
    k1, k2, k3 = jax.random.split(key, 3)
    raw_input = jax.random.randint(k1, (BATCH, SEQ), 0, DICT_SIZE, dtype=jnp.int64 if jax.config.jax_enable_x64 else jnp.int32)
    token_table = jax.random.normal(k2, (DICT_SIZE, EMBED_DIM), dtype=jnp.float32)
    pos_table = jax.random.normal(k3, (CONTEXT_WINDOW_SIZE, EMBED_DIM), dtype=jnp.float32)
    return {"raw_input": raw_input, "token_table": token_table, "pos_table": pos_table}


def reference(raw_input, token_table, pos_table):
    # Faithful to the torch module: BOTH embeddings are indexed by the same
    # raw_input tensor (token_embedding(input) + position_embedding(input)).
    tok = jnp.take(token_table, raw_input, axis=0)
    pos = jnp.take(pos_table, raw_input, axis=0)
    return tok + pos

if __name__ == "__main__":
    import jax
    _d = setup_inputs()
    print(jax.jit(kernel)(*tuple(_d.values())))

</pallas_src>

<mosaic_0001>
#map = affine_map<(d0, d1) -> (0, 0)>
module attributes {stable_mosaic.version = 14 : i64} {
  func.func @_sc_gather(%arg0: i32, %arg1: i32, %arg2: memref<100000x32xf32, #tpu.memory_space<hbm>>, %arg3: memref<6400x128xi32, #tpu.memory_space<hbm>>, %arg4: memref<819200x128xf32, #tpu.memory_space<hbm>>, %arg5: memref<10x128xi32, #tpu.memory_space<vmem>>, %arg6: memref<1280x32xf32, #tpu.memory_space<vmem>>, %arg7: memref<1280x32xf32, #tpu.memory_space<vmem>>, %arg8: memref<!tpu.dma_semaphore, #tpu.memory_space<semaphore_mem>>, %arg9: memref<!tpu.dma_semaphore, #tpu.memory_space<semaphore_mem>>, %arg10: memref<!tpu.dma_semaphore, #tpu.memory_space<semaphore_mem>>) attributes {dimension_semantics = [#tpu.dimension_semantics<core_parallel>, #tpu.dimension_semantics<subcore_parallel>], iteration_bounds = array<i64: 2, 16>, scalar_prefetch = 0 : i64, scratch_operands = 6 : i64, tpu.core_type = #tpu.core_type<sc_vector_subcore>, window_params = [{transform_indices = #map}, {transform_indices = #map}, {transform_indices = #map}]} {
    %mul3A = arith.constant 2 : i32
    %mul3A_0 = arith.muli %arg1, %mul3A : i32
    %add3A = arith.addi %mul3A_0, %arg0 : i32
    %mul3A_1 = arith.constant 200 : i32
    %mul3A_2 = arith.muli %add3A, %mul3A_1 : i32
    %scan3A = arith.constant 0 : i32
    %scan3A_3 = arith.constant 0 : i32
    %scan3A_4 = arith.constant 10 : i32
    %scan3A_5 = arith.addi %scan3A_3, %scan3A_4 : i32
    %scan3A_6 = arith.constant 1 : i32
    scf.for %scan3A_19 = %scan3A_3 to %scan3A_5 step %scan3A_6  : i32 {
      %mul3A_20 = arith.constant 2 : i32
      %mul3A_21 = arith.muli %mul3A_20, %scan3A_19 : i32
      %mul3A_22 = arith.constant 10 : i32
      %mul3A_23 = arith.muli %mul3A_21, %mul3A_22 : i32
      %add3A_24 = arith.addi %mul3A_2, %mul3A_23 : i32
      %ge3A = arith.constant 2 : i32
      %ge3A_25 = arith.cmpi sge, %mul3A_21, %ge3A : i32
      %convert_element_type3A = arith.extui %ge3A_25 : i1 to i32
      %cond3A = arith.constant 0 : i32
      %cond3A_26 = arith.cmpi ne, %convert_element_type3A, %cond3A : i32
      scf.if %cond3A_26 {
        %dma_wait3A_450 = arith.constant 0 : i32
        %dma_wait3A_451 = arith.constant 0 : i32
        %dma_wait3A_452 = tpu.memref_slice %arg4[%dma_wait3A_450, %dma_wait3A_451] : memref<819200x128xf32, #tpu.memory_space<hbm>> -> memref<1280x32xf32, #tpu.memory_space<hbm>>
        %dma_wait3A_453 = arith.constant 0 : i32
        %dma_wait3A_454 = arith.constant 0 : i32
        %dma_wait3A_455 = tpu.memref_slice %arg4[%dma_wait3A_453, %dma_wait3A_454] : memref<819200x128xf32, #tpu.memory_space<hbm>> -> memref<1280x32xf32, #tpu.memory_space<hbm>>
        tpu.wait_dma2 semaphore(%arg9 : memref<!tpu.dma_semaphore, #tpu.memory_space<semaphore_mem>>) src(%arg6 : memref<1280x32xf32, #tpu.memory_space<vmem>>) dst(%dma_wait3A_455 : memref<1280x32xf32, #tpu.memory_space<hbm>>)
      } else {
      }
      "tpu.region"() ({
        %run_scoped3A = tpu.sem_alloc : memref<!tpu.dma_semaphore, #tpu.memory_space<semaphore_mem>>
        %dma_start3A_450 = arith.constant 0 : i32
        %dma_start3A_451 = tpu.memref_slice %arg3[%add3A_24, %dma_start3A_450] : memref<6400x128xi32, #tpu.memory_space<hbm>> -> memref<10x128xi32, #tpu.memory_space<hbm>>
        %dma_start3A_452 = arith.constant 0 : i32
        %dma_start3A_453 = tpu.memref_slice %arg3[%add3A_24, %dma_start3A_452] : memref<6400x128xi32, #tpu.memory_space<hbm>> -> memref<10x128xi32, #tpu.memory_space<hbm>>
        tpu.enqueue_dma source(%dma_start3A_453 : memref<10x128xi32, #tpu.memory_space<hbm>>) target(%arg5 : memref<10x128xi32, #tpu.memory_space<vmem>>) target_semaphore(%run_scoped3A : memref<!tpu.dma_semaphore, #tpu.memory_space<semaphore_mem>>)
        %dma_wait3A_454 = arith.constant 0 : i32
        %dma_wait3A_455 = tpu.memref_slice %arg3[%add3A_24, %dma_wait3A_454] : memref<6400x128xi32, #tpu.memory_space<hbm>> -> memref<10x128xi32, #tpu.memory_space<hbm>>
        %dma_wait3A_456 = arith.constant 0 : i32
        %dma_wait3A_457 = tpu.memref_slice %arg3[%add3A_24, %dma_wait3A_456] : memref<6400x128xi32, #tpu.memory_space<hbm>> -> memref<10x128xi32, #tpu.memory_space<hbm>>
        tpu.wait_dma2 semaphore(%run_scoped3A : memref<!tpu.dma_semaphore, #tpu.memory_space<semaphore_mem>>) src(%dma_wait3A_457 : memref<10x128xi32, #tpu.memory_space<hbm>>) dst(%arg5 : memref<10x128xi32, #tpu.memory_space<vmem>>)
        tpu.yield
      }) : () -> ()
      %dma_start3A = arith.constant 0 : i32
      %dma_start3A_27 = arith.constant 0 : i32
      %dma_start3A_28 = arith.constant 0 : i32
      %dma_start3A_29 = tpu.memref_slice %arg6[%dma_start3A_27, %dma_start3A_28] : memref<1280x32xf32, #tpu.memory_space<vmem>> -> memref<128x32xf32, #tpu.memory_space<vmem>>
      %dma_start3A_30 = arith.constant 0 : i32
      %dma_start3A_31 = tpu.memref_slice %arg5[%dma_start3A, %dma_start3A_30] : memref<10x128xi32, #tpu.memory_space<vmem>> -> memref<1x128xi32, #tpu.memory_space<vmem>>
      %dma_start3A_32 = tpu.memref_squeeze %dma_start3A_31 : memref<1x128xi32, #tpu.memory_space<vmem>> -> memref<128xi32, #tpu.memory_space<vmem>>
      %dma_start3A_33 = arith.constant 0 : i32
      %dma_start3A_34 = arith.constant 0 : i32
      %dma_start3A_35 = tpu.memref_slice %arg2[%dma_start3A_33, %dma_start3A_34] : memref<100000x32xf32, #tpu.memory_space<hbm>> -> memref<100000x32xf32, #tpu.memory_space<hbm>>
      tpu.enqueue_indirect_dma source(%dma_start3A_35 : memref<100000x32xf32, #tpu.memory_space<hbm>>) target(%dma_start3A_29 : memref<128x32xf32, #tpu.memory_space<vmem>>) offsets(%dma_start3A_32 : memref<128xi32, #tpu.memory_space<vmem>>) semaphore(%arg8 : memref<!tpu.dma_semaphore, #tpu.memory_space<semaphore_mem>>)
      %dma_start3A_36 = arith.constant 1 : i32
      %dma_start3A_37 = arith.constant 128 : i32
      %dma_start3A_38 = arith.constant 0 : i32
      %dma_start3A_39 = tpu.memref_slice %arg6[%dma_start3A_37, %dma_start3A_38] : memref<1280x32xf32, #tpu.memory_space<vmem>> -> memref<128x32xf32, #tpu.memory_space<vmem>>
      %dma_start3A_40 = arith.constant 0 : i32
      %dma_start3A_41 = tpu.memref_slice %arg5[%dma_start3A_36, %dma_start3A_40] : memref<10x128xi32, #tpu.memory_space<vmem>> -> memref<1x128xi32, #tpu.memory_space<vmem>>
      %dma_start3A_42 = tpu.memref_squeeze %dma_start3A_41 : memref<1x128xi32, #tpu.memory_space<vmem>> -> memref<128xi32, #tpu.memory_space<vmem>>
      %dma_start3A_43 = arith.constant 0 : i32
      %dma_start3A_44 = arith.constant 0 : i32
      %dma_start3A_45 = tpu.memref_slice %arg2[%dma_start3A_43, %dma_start3A_44] : memref<100000x32xf32, #tpu.memory_space<hbm>> -> memref<100000x32xf32, #tpu.memory_space<hbm>>
      tpu.enqueue_indirect_dma source(%dma_start3A_45 : memref<100000x32xf32, #tpu.memory_space<hbm>>) target(%dma_start3A_39 : memref<128x32xf32, #tpu.memory_space<vmem>>) offsets(%dma_start3A_42 : memref<128xi32, #tpu.memory_space<vmem>>) semaphore(%arg8 : memref<!tpu.dma_semaphore, #tpu.memory_space<semaphore_mem>>)
      %dma_start3A_46 = arith.constant 2 : i32
      %dma_start3A_47 = arith.constant 256 : i32
      %dma_start3A_48 = arith.constant 0 : i32
      %dma_start3A_49 = tpu.memref_slice %arg6[%dma_start3A_47, %dma_start3A_48] : memref<1280x32xf32, #tpu.memory_space<vmem>> -> memref<128x32xf32, #tpu.memory_space<vmem>>
      %dma_start3A_50 = arith.constant 0 : i32
      %dma_start3A_51 = tpu.memref_slice %arg5[%dma_start3A_46, %dma_start3A_50] : memref<10x128xi32, #tpu.memory_space<vmem>> -> memref<1x128xi32, #tpu.memory_space<vmem>>
      %dma_start3A_52 = tpu.memref_squeeze %dma_start3A_51 : memref<1x128xi32, #tpu.memory_space<vmem>> -> memref<128xi32, #tpu.memory_space<vmem>>
      %dma_start3A_53 = arith.constant 0 : i32
      %dma_start3A_54 = arith.constant 0 : i32
      %dma_start3A_55 = tpu.memref_slice %arg2[%dma_start3A_53, %dma_start3A_54] : memref<100000x32xf32, #tpu.memory_space<hbm>> -> memref<100000x32xf32, #tpu.memory_space<hbm>>
      tpu.enqueue_indirect_dma source(%dma_start3A_55 : memref<100000x32xf32, #tpu.memory_space<hbm>>) target(%dma_start3A_49 : memref<128x32xf32, #tpu.memory_space<vmem>>) offsets(%dma_start3A_52 : memref<128xi32, #tpu.memory_space<vmem>>) semaphore(%arg8 : memref<!tpu.dma_semaphore, #tpu.memory_space<semaphore_mem>>)
      %dma_start3A_56 = arith.constant 3 : i32
      %dma_start3A_57 = arith.constant 384 : i32
      %dma_start3A_58 = arith.constant 0 : i32
      %dma_start3A_59 = tpu.memref_slice %arg6[%dma_start3A_57, %dma_start3A_58] : memref<1280x32xf32, #tpu.memory_space<vmem>> -> memref<128x32xf32, #tpu.memory_space<vmem>>
      %dma_start3A_60 = arith.constant 0 : i32
      %dma_start3A_61 = tpu.memref_slice %arg5[%dma_start3A_56, %dma_start3A_60] : memref<10x128xi32, #tpu.memory_space<vmem>> -> memref<1x128xi32, #tpu.memory_space<vmem>>
      %dma_start3A_62 = tpu.memref_squeeze %dma_start3A_61 : memref<1x128xi32, #tpu.memory_space<vmem>> -> memref<128xi32, #tpu.memory_space<vmem>>
      %dma_start3A_63 = arith.constant 0 : i32
      %dma_start3A_64 = arith.constant 0 : i32
      %dma_start3A_65 = tpu.memref_slice %arg2[%dma_start3A_63, %dma_start3A_64] : memref<100000x32xf32, #tpu.memory_space<hbm>> -> memref<100000x32xf32, #tpu.memory_space<hbm>>
      tpu.enqueue_indirect_dma source(%dma_start3A_65 : memref<100000x32xf32, #tpu.memory_space<hbm>>) target(%dma_start3A_59 : memref<128x32xf32, #tpu.memory_space<vmem>>) offsets(%dma_start3A_62 : memref<128xi32, #tpu.memory_space<vmem>>) semaphore(%arg8 : memref<!tpu.dma_semaphore, #tpu.memory_space<semaphore_mem>>)
      %dma_start3A_66 = arith.constant 4 : i32
      %dma_start3A_67 = arith.constant 512 : i32
      %dma_start3A_68 = arith.constant 0 : i32
      %dma_start3A_69 = tpu.memref_slice %arg6[%dma_start3A_67, %dma_start3A_68] : memref<1280x32xf32, #tpu.memory_space<vmem>> -> memref<128x32xf32, #tpu.memory_space<vmem>>
      %dma_start3A_70 = arith.constant 0 : i32
      %dma_start3A_71 = tpu.memref_slice %arg5[%dma_start3A_66, %dma_start3A_70] : memref<10x128xi32, #tpu.memory_space<vmem>> -> memref<1x128xi32, #tpu.memory_space<vmem>>
      %dma_start3A_72 = tpu.memref_squeeze %dma_start3A_71 : memref<1x128xi32, #tpu.memory_space<vmem>> -> memref<128xi32, #tpu.memory_space<vmem>>
      %dma_start3A_73 = arith.constant 0 : i32
      %dma_start3A_74 = arith.constant 0 : i32
      %dma_start3A_75 = tpu.memref_slice %arg2[%dma_start3A_73, %dma_start3A_74] : memref<100000x32xf32, #tpu.memory_space<hbm>> -> memref<100000x32xf32, #tpu.memory_space<hbm>>
      tpu.enqueue_indirect_dma source(%dma_start3A_75 : memref<100000x32xf32, #tpu.memory_space<hbm>>) target(%dma_start3A_69 : memref<128x32xf32, #tpu.memory_space<vmem>>) offsets(%dma_start3A_72 : memref<128xi32, #tpu.memory_space<vmem>>) semaphore(%arg8 : memref<!tpu.dma_semaphore, #tpu.memory_space<semaphore_mem>>)
      %dma_start3A_76 = arith.constant 5 : i32
      %dma_start3A_77 = arith.constant 640 : i32
      %dma_start3A_78 = arith.constant 0 : i32
      %dma_start3A_79 = tpu.memref_slice %arg6[%dma_start3A_77, %dma_start3A_78] : memref<1280x32xf32, #tpu.memory_space<vmem>> -> memref<128x32xf32, #tpu.memory_space<vmem>>
      %dma_start3A_80 = arith.constant 0 : i32
      %dma_start3A_81 = tpu.memref_slice %arg5[%dma_start3A_76, %dma_start3A_80] : memref<10x128xi32, #tpu.memory_space<vmem>> -> memref<1x128xi32, #tpu.memory_space<vmem>>
      %dma_start3A_82 = tpu.memref_squeeze %dma_start3A_81 : memref<1x128xi32, #tpu.memory_space<vmem>> -> memref<128xi32, #tpu.memory_space<vmem>>
      %dma_start3A_83 = arith.constant 0 : i32
      %dma_start3A_84 = arith.constant 0 : i32
      %dma_start3A_85 = tpu.memref_slice %arg2[%dma_start3A_83, %dma_start3A_84] : memref<100000x32xf32, #tpu.memory_space<hbm>> -> memref<100000x32xf32, #tpu.memory_space<hbm>>
      tpu.enqueue_indirect_dma source(%dma_start3A_85 : memref<100000x32xf32, #tpu.memory_space<hbm>>) target(%dma_start3A_79 : memref<128x32xf32, #tpu.memory_space<vmem>>) offsets(%dma_start3A_82 : memref<128xi32, #tpu.memory_space<vmem>>) semaphore(%arg8 : memref<!tpu.dma_semaphore, #tpu.memory_space<semaphore_mem>>)
      %dma_start3A_86 = arith.constant 6 : i32
      %dma_start3A_87 = arith.constant 768 : i32
      %dma_start3A_88 = arith.constant 0 : i32
      %dma_start3A_89 = tpu.memref_slice %arg6[%dma_start3A_87, %dma_start3A_88] : memref<1280x32xf32, #tpu.memory_space<vmem>> -> memref<128x32xf32, #tpu.memory_space<vmem>>
      %dma_start3A_90 = arith.constant 0 : i32
      %dma_start3A_91 = tpu.memref_slice %arg5[%dma_start3A_86, %dma_start3A_90] : memref<10x128xi32, #tpu.memory_space<vmem>> -> memref<1x128xi32, #tpu.memory_space<vmem>>
      %dma_start3A_92 = tpu.memref_squeeze %dma_start3A_91 : memref<1x128xi32, #tpu.memory_space<vmem>> -> memref<128xi32, #tpu.memory_space<vmem>>
      %dma_start3A_93 = arith.constant 0 : i32
      %dma_start3A_94 = arith.constant 0 : i32
      %dma_start3A_95 = tpu.memref_slice %arg2[%dma_start3A_93, %dma_start3A_94] : memref<100000x32xf32, #tpu.memory_space<hbm>> -> memref<100000x32xf32, #tpu.memory_space<hbm>>
      tpu.enqueue_indirect_dma source(%dma_start3A_95 : memref<100000x32xf32, #tpu.memory_space<hbm>>) target(%dma_start3A_89 : memref<128x32xf32, #tpu.memory_space<vmem>>) offsets(%dma_start3A_92 : memref<128xi32, #tpu.memory_space<vmem>>) semaphore(%arg8 : memref<!tpu.dma_semaphore, #tpu.memory_space<semaphore_mem>>)
      %dma_start3A_96 = arith.constant 7 : i32
      %dma_start3A_97 = arith.constant 896 : i32
      %dma_start3A_98 = arith.constant 0 : i32
      %dma_start3A_99 = tpu.memref_slice %arg6[%dma_start3A_97, %dma_start3A_98] : memref<1280x32xf32, #tpu.memory_space<vmem>> -> memref<128x32xf32, #tpu.memory_space<vmem>>
      %dma_start3A_100 = arith.constant 0 : i32
      %dma_start3A_101 = tpu.memref_slice %arg5[%dma_start3A_96, %dma_start3A_100] : memref<10x128xi32, #tpu.memory_space<vmem>> -> memref<1x128xi32, #tpu.memory_space<vmem>>
      %dma_start3A_102 = tpu.memref_squeeze %dma_start3A_101 : memref<1x128xi32, #tpu.memory_space<vmem>> -> memref<128xi32, #tpu.memory_space<vmem>>
      %dma_start3A_103 = arith.constant 0 : i32
      %dma_start3A_104 = arith.constant 0 : i32
      %dma_start3A_105 = tpu.memref_slice %arg2[%dma_start3A_103, %dma_start3A_104] : memref<100000x32xf32, #tpu.memory_space<hbm>> -> memref<100000x32xf32, #tpu.memory_space<hbm>>
      tpu.enqueue_indirect_dma source(%dma_start3A_105 : memref<100000x32xf32, #tpu.memory_space<hbm>>) target(%dma_start3A_99 : memref<128x32xf32, #tpu.memory_space<vmem>>) offsets(%dma_start3A_102 : memref<128xi32, #tpu.memory_space<vmem>>) semaphore(%arg8 : memref<!tpu.dma_semaphore, #tpu.memory_space<semaphore_mem>>)
      %dma_start3A_106 = arith.constant 8 : i32
      %dma_start3A_107 = arith.constant 1024 : i32
      %dma_start3A_108 = arith.constant 0 : i32
      %dma_start3A_109 = tpu.memref_slice %arg6[%dma_start3A_107, %dma_start3A_108] : memref<1280x32xf32, #tpu.memory_space<vmem>> -> memref<128x32xf32, #tpu.memory_space<vmem>>
      %dma_start3A_110 = arith.constant 0 : i32
      %dma_start3A_111 = tpu.memref_slice %arg5[%dma_start3A_106, %dma_start3A_110] : memref<10x128xi32, #tpu.memory_space<vmem>> -> memref<1x128xi32, #tpu.memory_space<vmem>>
      %dma_start3A_112 = tpu.memref_squeeze %dma_start3A_111 : memref<1x128xi32, #tpu.memory_space<vmem>> -> memref<128xi32, #tpu.memory_space<vmem>>
      %dma_start3A_113 = arith.constant 0 : i32
      %dma_start3A_114 = arith.constant 0 : i32
      %dma_start3A_115 = tpu.memref_slice %arg2[%dma_start3A_113, %dma_start3A_114] : memref<100000x32xf32, #tpu.memory_space<hbm>> -> memref<100000x32xf32, #tpu.memory_space<hbm>>
      tpu.enqueue_indirect_dma source(%dma_start3A_115 : memref<100000x32xf32, #tpu.memory_space<hbm>>) target(%dma_start3A_109 : memref<128x32xf32, #tpu.memory_space<vmem>>) offsets(%dma_start3A_112 : memref<128xi32, #tpu.memory_space<vmem>>) semaphore(%arg8 : memref<!tpu.dma_semaphore, #tpu.memory_space<semaphore_mem>>)
      %dma_start3A_116 = arith.constant 9 : i32
      %dma_start3A_117 = arith.constant 1152 : i32
      %dma_start3A_118 = arith.constant 0 : i32
      %dma_start3A_119 = tpu.memref_slice %arg6[%dma_start3A_117, %dma_start3A_118] : memref<1280x32xf32, #tpu.memory_space<vmem>> -> memref<128x32xf32, #tpu.memory_space<vmem>>
      %dma_start3A_120 = arith.constant 0 : i32
      %dma_start3A_121 = tpu.memref_slice %arg5[%dma_start3A_116, %dma_start3A_120] : memref<10x128xi32, #tpu.memory_space<vmem>> -> memref<1x128xi32, #tpu.memory_space<vmem>>
      %dma_start3A_122 = tpu.memref_squeeze %dma_start3A_121 : memref<1x128xi32, #tpu.memory_space<vmem>> -> memref<128xi32, #tpu.memory_space<vmem>>
      %dma_start3A_123 = arith.constant 0 : i32
      %dma_start3A_124 = arith.constant 0 : i32
      %dma_start3A_125 = tpu.memref_slice %arg2[%dma_start3A_123, %dma_start3A_124] : memref<100000x32xf32, #tpu.memory_space<hbm>> -> memref<100000x32xf32, #tpu.memory_space<hbm>>
      tpu.enqueue_indirect_dma source(%dma_start3A_125 : memref<100000x32xf32, #tpu.memory_space<hbm>>) target(%dma_start3A_119 : memref<128x32xf32, #tpu.memory_space<vmem>>) offsets(%dma_start3A_122 : memref<128xi32, #tpu.memory_space<vmem>>) semaphore(%arg8 : memref<!tpu.dma_semaphore, #tpu.memory_space<semaphore_mem>>)
      %dma_wait3A_126 = arith.constant 0 : i32
      %dma_wait3A_127 = arith.constant 0 : i32
      %dma_wait3A_128 = arith.constant 0 : i32
      %dma_wait3A_129 = tpu.memref_slice %arg6[%dma_wait3A_127, %dma_wait3A_128] : memref<1280x32xf32, #tpu.memory_space<vmem>> -> memref<128x32xf32, #tpu.memory_space<vmem>>
      %dma_wait3A_130 = arith.constant 0 : i32
      %dma_wait3A_131 = tpu.memref_slice %arg5[%dma_wait3A_126, %dma_wait3A_130] : memref<10x128xi32, #tpu.memory_space<vmem>> -> memref<1x128xi32, #tpu.memory_space<vmem>>
      %dma_wait3A_132 = tpu.memref_squeeze %dma_wait3A_131 : memref<1x128xi32, #tpu.memory_space<vmem>> -> memref<128xi32, #tpu.memory_space<vmem>>
      %dma_wait3A_133 = arith.constant 0 : i32
      %dma_wait3A_134 = arith.constant 0 : i32
      %dma_wait3A_135 = tpu.memref_slice %arg2[%dma_wait3A_133, %dma_wait3A_134] : memref<100000x32xf32, #tpu.memory_space<hbm>> -> memref<100000x32xf32, #tpu.memory_space<hbm>>
      tpu.wait_indirect_dma semaphore(%arg8 : memref<!tpu.dma_semaphore, #tpu.memory_space<semaphore_mem>>) src(%dma_wait3A_135 : memref<100000x32xf32, #tpu.memory_space<hbm>>) dst(%dma_wait3A_129 : memref<128x32xf32, #tpu.memory_space<vmem>>)
      %dma_wait3A_136 = arith.constant 1 : i32
      %dma_wait3A_137 = arith.constant 128 : i32
      %dma_wait3A_138 = arith.constant 0 : i32
      %dma_wait3A_139 = tpu.memref_slice %arg6[%dma_wait3A_137, %dma_wait3A_138] : memref<1280x32xf32, #tpu.memory_space<vmem>> -> memref<128x32xf32, #tpu.memory_space<vmem>>
      %dma_wait3A_140 = arith.constant 0 : i32
      %dma_wait3A_141 = tpu.memref_slice %arg5[%dma_wait3A_136, %dma_wait3A_140] : memref<10x128xi32, #tpu.memory_space<vmem>> -> memref<1x128xi32, #tpu.memory_space<vmem>>
      %dma_wait3A_142 = tpu.memref_squeeze %dma_wait3A_141 : memref<1x128xi32, #tpu.memory_space<vmem>> -> memref<128xi32, #tpu.memory_space<vmem>>
      %dma_wait3A_143 = arith.constant 0 : i32
      %dma_wait3A_144 = arith.constant 0 : i32
      %dma_wait3A_145 = tpu.memref_slice %arg2[%dma_wait3A_143, %dma_wait3A_144] : memref<100000x32xf32, #tpu.memory_space<hbm>> -> memref<100000x32xf32, #tpu.memory_space<hbm>>
      tpu.wait_indirect_dma semaphore(%arg8 : memref<!tpu.dma_semaphore, #tpu.memory_space<semaphore_mem>>) src(%dma_wait3A_145 : memref<100000x32xf32, #tpu.memory_space<hbm>>) dst(%dma_wait3A_139 : memref<128x32xf32, #tpu.memory_space<vmem>>)
      %dma_wait3A_146 = arith.constant 2 : i32
      %dma_wait3A_147 = arith.constant 256 : i32
      %dma_wait3A_148 = arith.constant 0 : i32
      %dma_wait3A_149 = tpu.memref_slice %arg6[%dma_wait3A_147, %dma_wait3A_148] : memref<1280x32xf32, #tpu.memory_space<vmem>> -> memref<128x32xf32, #tpu.memory_space<vmem>>
      %dma_wait3A_150 = arith.constant 0 : i32
      %dma_wait3A_151 = tpu.memref_slice %arg5[%dma_wait3A_146, %dma_wait3A_150] : memref<10x128xi32, #tpu.memory_space<vmem>> -> memref<1x128xi32, #tpu.memory_space<vmem>>
      %dma_wait3A_152 = tpu.memref_squeeze %dma_wait3A_151 : memref<1x128xi32, #tpu.memory_space<vmem>> -> memref<128xi32, #tpu.memory_space<vmem>>
      %dma_wait3A_153 = arith.constant 0 : i32
      %dma_wait3A_154 = arith.constant 0 : i32
      %dma_wait3A_155 = tpu.memref_slice %arg2[%dma_wait3A_153, %dma_wait3A_154] : memref<100000x32xf32, #tpu.memory_space<hbm>> -> memref<100000x32xf32, #tpu.memory_space<hbm>>
      tpu.wait_indirect_dma semaphore(%arg8 : memref<!tpu.dma_semaphore, #tpu.memory_space<semaphore_mem>>) src(%dma_wait3A_155 : memref<100000x32xf32, #tpu.memory_space<hbm>>) dst(%dma_wait3A_149 : memref<128x32xf32, #tpu.memory_space<vmem>>)
      %dma_wait3A_156 = arith.constant 3 : i32
      %dma_wait3A_157 = arith.constant 384 : i32
      %dma_wait3A_158 = arith.constant 0 : i32
      %dma_wait3A_159 = tpu.memref_slice %arg6[%dma_wait3A_157, %dma_wait3A_158] : memref<1280x32xf32, #tpu.memory_space<vmem>> -> memref<128x32xf32, #tpu.memory_space<vmem>>
      %dma_wait3A_160 = arith.constant 0 : i32
      %dma_wait3A_161 = tpu.memref_slice %arg5[%dma_wait3A_156, %dma_wait3A_160] : memref<10x128xi32, #tpu.memory_space<vmem>> -> memref<1x128xi32, #tpu.memory_space<vmem>>
      %dma_wait3A_162 = tpu.memref_squeeze %dma_wait3A_161 : memref<1x128xi32, #tpu.memory_space<vmem>> -> memref<128xi32, #tpu.memory_space<vmem>>
      %dma_wait3A_163 = arith.constant 0 : i32
      %dma_wait3A_164 = arith.constant 0 : i32
      %dma_wait3A_165 = tpu.memref_slice %arg2[%dma_wait3A_163, %dma_wait3A_164] : memref<100000x32xf32, #tpu.memory_space<hbm>> -> memref<100000x32xf32, #tpu.memory_space<hbm>>
      tpu.wait_indirect_dma semaphore(%arg8 : memref<!tpu.dma_semaphore, #tpu.memory_space<semaphore_mem>>) src(%dma_wait3A_165 : memref<100000x32xf32, #tpu.memory_space<hbm>>) dst(%dma_wait3A_159 : memref<128x32xf32, #tpu.memory_space<vmem>>)
      %dma_wait3A_166 = arith.constant 4 : i32
      %dma_wait3A_167 = arith.constant 512 : i32
      %dma_wait3A_168 = arith.constant 0 : i32
      %dma_wait3A_169 = tpu.memref_slice %arg6[%dma_wait3A_167, %dma_wait3A_168] : memref<1280x32xf32, #tpu.memory_space<vmem>> -> memref<128x32xf32, #tpu.memory_space<vmem>>
      %dma_wait3A_170 = arith.constant 0 : i32
      %dma_wait3A_171 = tpu.memref_slice %arg5[%dma_wait3A_166, %dma_wait3A_170] : memref<10x128xi32, #tpu.memory_space<vmem>> -> memref<1x128xi32, #tpu.memory_space<vmem>>
      %dma_wait3A_172 = tpu.memref_squeeze %dma_wait3A_171 : memref<1x128xi32, #tpu.memory_space<vmem>> -> memref<128xi32, #tpu.memory_space<vmem>>
      %dma_wait3A_173 = arith.constant 0 : i32
      %dma_wait3A_174 = arith.constant 0 : i32
      %dma_wait3A_175 = tpu.memref_slice %arg2[%dma_wait3A_173, %dma_wait3A_174] : memref<100000x32xf32, #tpu.memory_space<hbm>> -> memref<100000x32xf32, #tpu.memory_space<hbm>>
      tpu.wait_indirect_dma semaphore(%arg8 : memref<!tpu.dma_semaphore, #tpu.memory_space<semaphore_mem>>) src(%dma_wait3A_175 : memref<100000x32xf32, #tpu.memory_space<hbm>>) dst(%dma_wait3A_169 : memref<128x32xf32, #tpu.memory_space<vmem>>)
      %dma_wait3A_176 = arith.constant 5 : i32
      %dma_wait3A_177 = arith.constant 640 : i32
      %dma_wait3A_178 = arith.constant 0 : i32
      %dma_wait3A_179 = tpu.memref_slice %arg6[%dma_wait3A_177, %dma_wait3A_178] : memref<1280x32xf32, #tpu.memory_space<vmem>> -> memref<128x32xf32, #tpu.memory_space<vmem>>
      %dma_wait3A_180 = arith.constant 0 : i32
      %dma_wait3A_181 = tpu.memref_slice %arg5[%dma_wait3A_176, %dma_wait3A_180] : memref<10x128xi32, #tpu.memory_space<vmem>> -> memref<1x128xi32, #tpu.memory_space<vmem>>
      %dma_wait3A_182 = tpu.memref_squeeze %dma_wait3A_181 : memref<1x128xi32, #tpu.memory_space<vmem>> -> memref<128xi32, #tpu.memory_space<vmem>>
      %dma_wait3A_183 = arith.constant 0 : i32
      %dma_wait3A_184 = arith.constant 0 : i32
      %dma_wait3A_185 = tpu.memref_slice %arg2[%dma_wait3A_183, %dma_wait3A_184] : memref<100000x32xf32, #tpu.memory_space<hbm>> -> memref<100000x32xf32, #tpu.memory_space<hbm>>
      tpu.wait_indirect_dma semaphore(%arg8 : memref<!tpu.dma_semaphore, #tpu.memory_space<semaphore_mem>>) src(%dma_wait3A_185 : memref<100000x32xf32, #tpu.memory_space<hbm>>) dst(%dma_wait3A_179 : memref<128x32xf32, #tpu.memory_space<vmem>>)
      %dma_wait3A_186 = arith.constant 6 : i32
      %dma_wait3A_187 = arith.constant 768 : i32
      %dma_wait3A_188 = arith.constant 0 : i32
      %dma_wait3A_189 = tpu.memref_slice %arg6[%dma_wait3A_187, %dma_wait3A_188] : memref<1280x32xf32, #tpu.memory_space<vmem>> -> memref<128x32xf32, #tpu.memory_space<vmem>>
      %dma_wait3A_190 = arith.constant 0 : i32
      %dma_wait3A_191 = tpu.memref_slice %arg5[%dma_wait3A_186, %dma_wait3A_190] : memref<10x128xi32, #tpu.memory_space<vmem>> -> memref<1x128xi32, #tpu.memory_space<vmem>>
      %dma_wait3A_192 = tpu.memref_squeeze %dma_wait3A_191 : memref<1x128xi32, #tpu.memory_space<vmem>> -> memref<128xi32, #tpu.memory_space<vmem>>
      %dma_wait3A_193 = arith.constant 0 : i32
      %dma_wait3A_194 = arith.constant 0 : i32
      %dma_wait3A_195 = tpu.memref_slice %arg2[%dma_wait3A_193, %dma_wait3A_194] : memref<100000x32xf32, #tpu.memory_space<hbm>> -> memref<100000x32xf32, #tpu.memory_space<hbm>>
      tpu.wait_indirect_dma semaphore(%arg8 : memref<!tpu.dma_semaphore, #tpu.memory_space<semaphore_mem>>) src(%dma_wait3A_195 : memref<100000x32xf32, #tpu.memory_space<hbm>>) dst(%dma_wait3A_189 : memref<128x32xf32, #tpu.memory_space<vmem>>)
      %dma_wait3A_196 = arith.constant 7 : i32
      %dma_wait3A_197 = arith.constant 896 : i32
      %dma_wait3A_198 = arith.constant 0 : i32
      %dma_wait3A_199 = tpu.memref_slice %arg6[%dma_wait3A_197, %dma_wait3A_198] : memref<1280x32xf32, #tpu.memory_space<vmem>> -> memref<128x32xf32, #tpu.memory_space<vmem>>
      %dma_wait3A_200 = arith.constant 0 : i32
      %dma_wait3A_201 = tpu.memref_slice %arg5[%dma_wait3A_196, %dma_wait3A_200] : memref<10x128xi32, #tpu.memory_space<vmem>> -> memref<1x128xi32, #tpu.memory_space<vmem>>
      %dma_wait3A_202 = tpu.memref_squeeze %dma_wait3A_201 : memref<1x128xi32, #tpu.memory_space<vmem>> -> memref<128xi32, #tpu.memory_space<vmem>>
      %dma_wait3A_203 = arith.constant 0 : i32
      %dma_wait3A_204 = arith.constant 0 : i32
      %dma_wait3A_205 = tpu.memref_slice %arg2[%dma_wait3A_203, %dma_wait3A_204] : memref<100000x32xf32, #tpu.memory_space<hbm>> -> memref<100000x32xf32, #tpu.memory_space<hbm>>
      tpu.wait_indirect_dma semaphore(%arg8 : memref<!tpu.dma_semaphore, #tpu.memory_space<semaphore_mem>>) src(%dma_wait3A_205 : memref<100000x32xf32, #tpu.memory_space<hbm>>) dst(%dma_wait3A_199 : memref<128x32xf32, #tpu.memory_space<vmem>>)
      %dma_wait3A_206 = arith.constant 8 : i32
      %dma_wait3A_207 = arith.constant 1024 : i32
      %dma_wait3A_208 = arith.constant 0 : i32
      %dma_wait3A_209 = tpu.memref_slice %arg6[%dma_wait3A_207, %dma_wait3A_208] : memref<1280x32xf32, #tpu.memory_space<vmem>> -> memref<128x32xf32, #tpu.memory_space<vmem>>
      %dma_wait3A_210 = arith.constant 0 : i32
      %dma_wait3A_211 = tpu.memref_slice %arg5[%dma_wait3A_206, %dma_wait3A_210] : memref<10x128xi32, #tpu.memory_space<vmem>> -> memref<1x128xi32, #tpu.memory_space<vmem>>
      %dma_wait3A_212 = tpu.memref_squeeze %dma_wait3A_211 : memref<1x128xi32, #tpu.memory_space<vmem>> -> memref<128xi32, #tpu.memory_space<vmem>>
      %dma_wait3A_213 = arith.constant 0 : i32
      %dma_wait3A_214 = arith.constant 0 : i32
      %dma_wait3A_215 = tpu.memref_slice %arg2[%dma_wait3A_213, %dma_wait3A_214] : memref<100000x32xf32, #tpu.memory_space<hbm>> -> memref<100000x32xf32, #tpu.memory_space<hbm>>
      tpu.wait_indirect_dma semaphore(%arg8 : memref<!tpu.dma_semaphore, #tpu.memory_space<semaphore_mem>>) src(%dma_wait3A_215 : memref<100000x32xf32, #tpu.memory_space<hbm>>) dst(%dma_wait3A_209 : memref<128x32xf32, #tpu.memory_space<vmem>>)
      %dma_wait3A_216 = arith.constant 9 : i32
      %dma_wait3A_217 = arith.constant 1152 : i32
      %dma_wait3A_218 = arith.constant 0 : i32
      %dma_wait3A_219 = tpu.memref_slice %arg6[%dma_wait3A_217, %dma_wait3A_218] : memref<1280x32xf32, #tpu.memory_space<vmem>> -> memref<128x32xf32, #tpu.memory_space<vmem>>
      %dma_wait3A_220 = arith.constant 0 : i32
      %dma_wait3A_221 = tpu.memref_slice %arg5[%dma_wait3A_216, %dma_wait3A_220] : memref<10x128xi32, #tpu.memory_space<vmem>> -> memref<1x128xi32, #tpu.memory_space<vmem>>
      %dma_wait3A_222 = tpu.memref_squeeze %dma_wait3A_221 : memref<1x128xi32, #tpu.memory_space<vmem>> -> memref<128xi32, #tpu.memory_space<vmem>>
      %dma_wait3A_223 = arith.constant 0 : i32
      %dma_wait3A_224 = arith.constant 0 : i32
      %dma_wait3A_225 = tpu.memref_slice %arg2[%dma_wait3A_223, %dma_wait3A_224] : memref<100000x32xf32, #tpu.memory_space<hbm>> -> memref<100000x32xf32, #tpu.memory_space<hbm>>
      tpu.wait_indirect_dma semaphore(%arg8 : memref<!tpu.dma_semaphore, #tpu.memory_space<semaphore_mem>>) src(%dma_wait3A_225 : memref<100000x32xf32, #tpu.memory_space<hbm>>) dst(%dma_wait3A_219 : memref<128x32xf32, #tpu.memory_space<vmem>>)
      %mul3A_226 = arith.constant 128 : i32
      %mul3A_227 = arith.muli %add3A_24, %mul3A_226 : i32
      %dma_start3A_228 = arith.constant 0 : i32
      %dma_start3A_229 = tpu.memref_slice %arg4[%mul3A_227, %dma_start3A_228] : memref<819200x128xf32, #tpu.memory_space<hbm>> -> memref<1280x32xf32, #tpu.memory_space<hbm>>
      %dma_start3A_230 = arith.constant 0 : i32
      %dma_start3A_231 = tpu.memref_slice %arg4[%mul3A_227, %dma_start3A_230] : memref<819200x128xf32, #tpu.memory_space<hbm>> -> memref<1280x32xf32, #tpu.memory_space<hbm>>
      tpu.enqueue_dma source(%arg6 : memref<1280x32xf32, #tpu.memory_space<vmem>>) target(%dma_start3A_231 : memref<1280x32xf32, #tpu.memory_space<hbm>>) target_semaphore(%arg9 : memref<!tpu.dma_semaphore, #tpu.memory_space<semaphore_mem>>)
      %mul3A_232 = arith.constant 2 : i32
      %mul3A_233 = arith.muli %mul3A_232, %scan3A_19 : i32
      %add3A_234 = arith.constant 1 : i32
      %add3A_235 = arith.addi %mul3A_233, %add3A_234 : i32
      %mul3A_236 = arith.constant 10 : i32
      %mul3A_237 = arith.muli %add3A_235, %mul3A_236 : i32
      %add3A_238 = arith.addi %mul3A_2, %mul3A_237 : i32
      %ge3A_239 = arith.constant 2 : i32
      %ge3A_240 = arith.cmpi sge, %add3A_235, %ge3A_239 : i32
      %convert_element_type3A_241 = arith.extui %ge3A_240 : i1 to i32
      %cond3A_242 = arith.constant 0 : i32
      %cond3A_243 = arith.cmpi ne, %convert_element_type3A_241, %cond3A_242 : i32
      scf.if %cond3A_243 {
        %dma_wait3A_450 = arith.constant 0 : i32
        %dma_wait3A_451 = arith.constant 0 : i32
        %dma_wait3A_452 = tpu.memref_slice %arg4[%dma_wait3A_450, %dma_wait3A_451] : memref<819200x128xf32, #tpu.memory_space<hbm>> -> memref<1280x32xf32, #tpu.memory_space<hbm>>
        %dma_wait3A_453 = arith.constant 0 : i32
        %dma_wait3A_454 = arith.constant 0 : i32
        %dma_wait3A_455 = tpu.memref_slice %arg4[%dma_wait3A_453, %dma_wait3A_454] : memref<819200x128xf32, #tpu.memory_space<hbm>> -> memref<1280x32xf32, #tpu.memory_space<hbm>>
        tpu.wait_dma2 semaphore(%arg10 : memref<!tpu.dma_semaphore, #tpu.memory_space<semaphore_mem>>) src(%arg7 : memref<1280x32xf32, #tpu.memory_space<vmem>>) dst(%dma_wait3A_455 : memref<1280x32xf32, #tpu.memory_space<hbm>>)
      } else {
      }
      "tpu.region"() ({
        %run_scoped3A = tpu.sem_alloc : memref<!tpu.dma_semaphore, #tpu.memory_space<semaphore_mem>>
        %dma_start3A_450 = arith.constant 0 : i32
        %dma_start3A_451 = tpu.memref_slice %arg3[%add3A_238, %dma_start3A_450] : memref<6400x128xi32, #tpu.memory_space<hbm>> -> memref<10x128xi32, #tpu.memory_space<hbm>>
        %dma_start3A_452 = arith.constant 0 : i32
        %dma_start3A_453 = tpu.memref_slice %arg3[%add3A_238, %dma_start3A_452] : memref<6400x128xi32, #tpu.memory_space<hbm>> -> memref<10x128xi32, #tpu.memory_space<hbm>>
        tpu.enqueue_dma source(%dma_start3A_453 : memref<10x128xi32, #tpu.memory_space<hbm>>) target(%arg5 : memref<10x128xi32, #tpu.memory_space<vmem>>) target_semaphore(%run_scoped3A : memref<!tpu.dma_semaphore, #tpu.memory_space<semaphore_mem>>)
        %dma_wait3A_454 = arith.constant 0 : i32
        %dma_wait3A_455 = tpu.memref_slice %arg3[%add3A_238, %dma_wait3A_454] : memref<6400x128xi32, #tpu.memory_space<hbm>> -> memref<10x128xi32, #tpu.memory_space<hbm>>
        %dma_wait3A_456 = arith.constant 0 : i32
        %dma_wait3A_457 = tpu.memref_slice %arg3[%add3A_238, %dma_wait3A_456] : memref<6400x128xi32, #tpu.memory_space<hbm>> -> memref<10x128xi32, #tpu.memory_space<hbm>>
        tpu.wait_dma2 semaphore(%run_scoped3A : memref<!tpu.dma_semaphore, #tpu.memory_space<semaphore_mem>>) src(%dma_wait3A_457 : memref<10x128xi32, #tpu.memory_space<hbm>>) dst(%arg5 : memref<10x128xi32, #tpu.memory_space<vmem>>)
        tpu.yield
      }) : () -> ()
      %dma_start3A_244 = arith.constant 0 : i32
      %dma_start3A_245 = arith.constant 0 : i32
      %dma_start3A_246 = arith.constant 0 : i32
      %dma_start3A_247 = tpu.memref_slice %arg7[%dma_start3A_245, %dma_start3A_246] : memref<1280x32xf32, #tpu.memory_space<vmem>> -> memref<128x32xf32, #tpu.memory_space<vmem>>
      %dma_start3A_248 = arith.constant 0 : i32
      %dma_start3A_249 = tpu.memref_slice %arg5[%dma_start3A_244, %dma_start3A_248] : memref<10x128xi32, #tpu.memory_space<vmem>> -> memref<1x128xi32, #tpu.memory_space<vmem>>
      %dma_start3A_250 = tpu.memref_squeeze %dma_start3A_249 : memref<1x128xi32, #tpu.memory_space<vmem>> -> memref<128xi32, #tpu.memory_space<vmem>>
      %dma_start3A_251 = arith.constant 0 : i32
      %dma_start3A_252 = arith.constant 0 : i32
      %dma_start3A_253 = tpu.memref_slice %arg2[%dma_start3A_251, %dma_start3A_252] : memref<100000x32xf32, #tpu.memory_space<hbm>> -> memref<100000x32xf32, #tpu.memory_space<hbm>>
      tpu.enqueue_indirect_dma source(%dma_start3A_253 : memref<100000x32xf32, #tpu.memory_space<hbm>>) target(%dma_start3A_247 : memref<128x32xf32, #tpu.memory_space<vmem>>) offsets(%dma_start3A_250 : memref<128xi32, #tpu.memory_space<vmem>>) semaphore(%arg8 : memref<!tpu.dma_semaphore, #tpu.memory_space<semaphore_mem>>)
      %dma_start3A_254 = arith.constant 1 : i32
      %dma_start3A_255 = arith.constant 128 : i32
      %dma_start3A_256 = arith.constant 0 : i32
      %dma_start3A_257 = tpu.memref_slice %arg7[%dma_start3A_255, %dma_start3A_256] : memref<1280x32xf32, #tpu.memory_space<vmem>> -> memref<128x32xf32, #tpu.memory_space<vmem>>
      %dma_start3A_258 = arith.constant 0 : i32
      %dma_start3A_259 = tpu.memref_slice %arg5[%dma_start3A_254, %dma_start3A_258] : memref<10x128xi32, #tpu.memory_space<vmem>> -> memref<1x128xi32, #tpu.memory_space<vmem>>
      %dma_start3A_260 = tpu.memref_squeeze %dma_start3A_259 : memref<1x128xi32, #tpu.memory_space<vmem>> -> memref<128xi32, #tpu.memory_space<vmem>>
      %dma_start3A_261 = arith.constant 0 : i32
      %dma_start3A_262 = arith.constant 0 : i32
      %dma_start3A_263 = tpu.memref_slice %arg2[%dma_start3A_261, %dma_start3A_262] : memref<100000x32xf32, #tpu.memory_space<hbm>> -> memref<100000x32xf32, #tpu.memory_space<hbm>>
      tpu.enqueue_indirect_dma source(%dma_start3A_263 : memref<100000x32xf32, #tpu.memory_space<hbm>>) target(%dma_start3A_257 : memref<128x32xf32, #tpu.memory_space<vmem>>) offsets(%dma_start3A_260 : memref<128xi32, #tpu.memory_space<vmem>>) semaphore(%arg8 : memref<!tpu.dma_semaphore, #tpu.memory_space<semaphore_mem>>)
      %dma_start3A_264 = arith.constant 2 : i32
      %dma_start3A_265 = arith.constant 256 : i32
      %dma_start3A_266 = arith.constant 0 : i32
      %dma_start3A_267 = tpu.memref_slice %arg7[%dma_start3A_265, %dma_start3A_266] : memref<1280x32xf32, #tpu.memory_space<vmem>> -> memref<128x32xf32, #tpu.memory_space<vmem>>
      %dma_start3A_268 = arith.constant 0 : i32
      %dma_start3A_269 = tpu.memref_slice %arg5[%dma_start3A_264, %dma_start3A_268] : memref<10x128xi32, #tpu.memory_space<vmem>> -> memref<1x128xi32, #tpu.memory_space<vmem>>
      %dma_start3A_270 = tpu.memref_squeeze %dma_start3A_269 : memref<1x128xi32, #tpu.memory_space<vmem>> -> memref<128xi32, #tpu.memory_space<vmem>>
      %dma_start3A_271 = arith.constant 0 : i32
      %dma_start3A_272 = arith.constant 0 : i32
      %dma_start3A_273 = tpu.memref_slice %arg2[%dma_start3A_271, %dma_start3A_272] : memref<100000x32xf32, #tpu.memory_space<hbm>> -> memref<100000x32xf32, #tpu.memory_space<hbm>>
      tpu.enqueue_indirect_dma source(%dma_start3A_273 : memref<100000x32xf32, #tpu.memory_space<hbm>>) target(%dma_start3A_267 : memref<128x32xf32, #tpu.memory_space<vmem>>) offsets(%dma_start3A_270 : memref<128xi32, #tpu.memory_space<vmem>>) semaphore(%arg8 : memref<!tpu.dma_semaphore, #tpu.memory_space<semaphore_mem>>)
      %dma_start3A_274 = arith.constant 3 : i32
      %dma_start3A_275 = arith.constant 384 : i32
      %dma_start3A_276 = arith.constant 0 : i32
      %dma_start3A_277 = tpu.memref_slice %arg7[%dma_start3A_275, %dma_start3A_276] : memref<1280x32xf32, #tpu.memory_space<vmem>> -> memref<128x32xf32, #tpu.memory_space<vmem>>
      %dma_start3A_278 = arith.constant 0 : i32
      %dma_start3A_279 = tpu.memref_slice %arg5[%dma_start3A_274, %dma_start3A_278] : memref<10x128xi32, #tpu.memory_space<vmem>> -> memref<1x128xi32, #tpu.memory_space<vmem>>
      %dma_start3A_280 = tpu.memref_squeeze %dma_start3A_279 : memref<1x128xi32, #tpu.memory_space<vmem>> -> memref<128xi32, #tpu.memory_space<vmem>>
      %dma_start3A_281 = arith.constant 0 : i32
      %dma_start3A_282 = arith.constant 0 : i32
      %dma_start3A_283 = tpu.memref_slice %arg2[%dma_start3A_281, %dma_start3A_282] : memref<100000x32xf32, #tpu.memory_space<hbm>> -> memref<100000x32xf32, #tpu.memory_space<hbm>>
      tpu.enqueue_indirect_dma source(%dma_start3A_283 : memref<100000x32xf32, #tpu.memory_space<hbm>>) target(%dma_start3A_277 : memref<128x32xf32, #tpu.memory_space<vmem>>) offsets(%dma_start3A_280 : memref<128xi32, #tpu.memory_space<vmem>>) semaphore(%arg8 : memref<!tpu.dma_semaphore, #tpu.memory_space<semaphore_mem>>)
      %dma_start3A_284 = arith.constant 4 : i32
      %dma_start3A_285 = arith.constant 512 : i32
      %dma_start3A_286 = arith.constant 0 : i32
      %dma_start3A_287 = tpu.memref_slice %arg7[%dma_start3A_285, %dma_start3A_286] : memref<1280x32xf32, #tpu.memory_space<vmem>> -> memref<128x32xf32, #tpu.memory_space<vmem>>
      %dma_start3A_288 = arith.constant 0 : i32
      %dma_start3A_289 = tpu.memref_slice %arg5[%dma_start3A_284, %dma_start3A_288] : memref<10x128xi32, #tpu.memory_space<vmem>> -> memref<1x128xi32, #tpu.memory_space<vmem>>
      %dma_start3A_290 = tpu.memref_squeeze %dma_start3A_289 : memref<1x128xi32, #tpu.memory_space<vmem>> -> memref<128xi32, #tpu.memory_space<vmem>>
      %dma_start3A_291 = arith.constant 0 : i32
      %dma_start3A_292 = arith.constant 0 : i32
      %dma_start3A_293 = tpu.memref_slice %arg2[%dma_start3A_291, %dma_start3A_292] : memref<100000x32xf32, #tpu.memory_space<hbm>> -> memref<100000x32xf32, #tpu.memory_space<hbm>>
      tpu.enqueue_indirect_dma source(%dma_start3A_293 : memref<100000x32xf32, #tpu.memory_space<hbm>>) target(%dma_start3A_287 : memref<128x32xf32, #tpu.memory_space<vmem>>) offsets(%dma_start3A_290 : memref<128xi32, #tpu.memory_space<vmem>>) semaphore(%arg8 : memref<!tpu.dma_semaphore, #tpu.memory_space<semaphore_mem>>)
      %dma_start3A_294 = arith.constant 5 : i32
      %dma_start3A_295 = arith.constant 640 : i32
      %dma_start3A_296 = arith.constant 0 : i32
      %dma_start3A_297 = tpu.memref_slice %arg7[%dma_start3A_295, %dma_start3A_296] : memref<1280x32xf32, #tpu.memory_space<vmem>> -> memref<128x32xf32, #tpu.memory_space<vmem>>
      %dma_start3A_298 = arith.constant 0 : i32
      %dma_start3A_299 = tpu.memref_slice %arg5[%dma_start3A_294, %dma_start3A_298] : memref<10x128xi32, #tpu.memory_space<vmem>> -> memref<1x128xi32, #tpu.memory_space<vmem>>
      %dma_start3A_300 = tpu.memref_squeeze %dma_start3A_299 : memref<1x128xi32, #tpu.memory_space<vmem>> -> memref<128xi32, #tpu.memory_space<vmem>>
      %dma_start3A_301 = arith.constant 0 : i32
      %dma_start3A_302 = arith.constant 0 : i32
      %dma_start3A_303 = tpu.memref_slice %arg2[%dma_start3A_301, %dma_start3A_302] : memref<100000x32xf32, #tpu.memory_space<hbm>> -> memref<100000x32xf32, #tpu.memory_space<hbm>>
      tpu.enqueue_indirect_dma source(%dma_start3A_303 : memref<100000x32xf32, #tpu.memory_space<hbm>>) target(%dma_start3A_297 : memref<128x32xf32, #tpu.memory_space<vmem>>) offsets(%dma_start3A_300 : memref<128xi32, #tpu.memory_space<vmem>>) semaphore(%arg8 : memref<!tpu.dma_semaphore, #tpu.memory_space<semaphore_mem>>)
      %dma_start3A_304 = arith.constant 6 : i32
      %dma_start3A_305 = arith.constant 768 : i32
      %dma_start3A_306 = arith.constant 0 : i32
      %dma_start3A_307 = tpu.memref_slice %arg7[%dma_start3A_305, %dma_start3A_306] : memref<1280x32xf32, #tpu.memory_space<vmem>> -> memref<128x32xf32, #tpu.memory_space<vmem>>
      %dma_start3A_308 = arith.constant 0 : i32
      %dma_start3A_309 = tpu.memref_slice %arg5[%dma_start3A_304, %dma_start3A_308] : memref<10x128xi32, #tpu.memory_space<vmem>> -> memref<1x128xi32, #tpu.memory_space<vmem>>
      %dma_start3A_310 = tpu.memref_squeeze %dma_start3A_309 : memref<1x128xi32, #tpu.memory_space<vmem>> -> memref<128xi32, #tpu.memory_space<vmem>>
      %dma_start3A_311 = arith.constant 0 : i32
      %dma_start3A_312 = arith.constant 0 : i32
      %dma_start3A_313 = tpu.memref_slice %arg2[%dma_start3A_311, %dma_start3A_312] : memref<100000x32xf32, #tpu.memory_space<hbm>> -> memref<100000x32xf32, #tpu.memory_space<hbm>>
      tpu.enqueue_indirect_dma source(%dma_start3A_313 : memref<100000x32xf32, #tpu.memory_space<hbm>>) target(%dma_start3A_307 : memref<128x32xf32, #tpu.memory_space<vmem>>) offsets(%dma_start3A_310 : memref<128xi32, #tpu.memory_space<vmem>>) semaphore(%arg8 : memref<!tpu.dma_semaphore, #tpu.memory_space<semaphore_mem>>)
      %dma_start3A_314 = arith.constant 7 : i32
      %dma_start3A_315 = arith.constant 896 : i32
      %dma_start3A_316 = arith.constant 0 : i32
      %dma_start3A_317 = tpu.memref_slice %arg7[%dma_start3A_315, %dma_start3A_316] : memref<1280x32xf32, #tpu.memory_space<vmem>> -> memref<128x32xf32, #tpu.memory_space<vmem>>
      %dma_start3A_318 = arith.constant 0 : i32
      %dma_start3A_319 = tpu.memref_slice %arg5[%dma_start3A_314, %dma_start3A_318] : memref<10x128xi32, #tpu.memory_space<vmem>> -> memref<1x128xi32, #tpu.memory_space<vmem>>
      %dma_start3A_320 = tpu.memref_squeeze %dma_start3A_319 : memref<1x128xi32, #tpu.memory_space<vmem>> -> memref<128xi32, #tpu.memory_space<vmem>>
      %dma_start3A_321 = arith.constant 0 : i32
      %dma_start3A_322 = arith.constant 0 : i32
      %dma_start3A_323 = tpu.memref_slice %arg2[%dma_start3A_321, %dma_start3A_322] : memref<100000x32xf32, #tpu.memory_space<hbm>> -> memref<100000x32xf32, #tpu.memory_space<hbm>>
      tpu.enqueue_indirect_dma source(%dma_start3A_323 : memref<100000x32xf32, #tpu.memory_space<hbm>>) target(%dma_start3A_317 : memref<128x32xf32, #tpu.memory_space<vmem>>) offsets(%dma_start3A_320 : memref<128xi32, #tpu.memory_space<vmem>>) semaphore(%arg8 : memref<!tpu.dma_semaphore, #tpu.memory_space<semaphore_mem>>)
      %dma_start3A_324 = arith.constant 8 : i32
      %dma_start3A_325 = arith.constant 1024 : i32
      %dma_start3A_326 = arith.constant 0 : i32
      %dma_start3A_327 = tpu.memref_slice %arg7[%dma_start3A_325, %dma_start3A_326] : memref<1280x32xf32, #tpu.memory_space<vmem>> -> memref<128x32xf32, #tpu.memory_space<vmem>>
      %dma_start3A_328 = arith.constant 0 : i32
      %dma_start3A_329 = tpu.memref_slice %arg5[%dma_start3A_324, %dma_start3A_328] : memref<10x128xi32, #tpu.memory_space<vmem>> -> memref<1x128xi32, #tpu.memory_space<vmem>>
      %dma_start3A_330 = tpu.memref_squeeze %dma_start3A_329 : memref<1x128xi32, #tpu.memory_space<vmem>> -> memref<128xi32, #tpu.memory_space<vmem>>
      %dma_start3A_331 = arith.constant 0 : i32
      %dma_start3A_332 = arith.constant 0 : i32
      %dma_start3A_333 = tpu.memref_slice %arg2[%dma_start3A_331, %dma_start3A_332] : memref<100000x32xf32, #tpu.memory_space<hbm>> -> memref<100000x32xf32, #tpu.memory_space<hbm>>
      tpu.enqueue_indirect_dma source(%dma_start3A_333 : memref<100000x32xf32, #tpu.memory_space<hbm>>) target(%dma_start3A_327 : memref<128x32xf32, #tpu.memory_space<vmem>>) offsets(%dma_start3A_330 : memref<128xi32, #tpu.memory_space<vmem>>) semaphore(%arg8 : memref<!tpu.dma_semaphore, #tpu.memory_space<semaphore_mem>>)
      %dma_start3A_334 = arith.constant 9 : i32
      %dma_start3A_335 = arith.constant 1152 : i32
      %dma_start3A_336 = arith.constant 0 : i32
      %dma_start3A_337 = tpu.memref_slice %arg7[%dma_start3A_335, %dma_start3A_336] : memref<1280x32xf32, #tpu.memory_space<vmem>> -> memref<128x32xf32, #tpu.memory_space<vmem>>
      %dma_start3A_338 = arith.constant 0 : i32
      %dma_start3A_339 = tpu.memref_slice %arg5[%dma_start3A_334, %dma_start3A_338] : memref<10x128xi32, #tpu.memory_space<vmem>> -> memref<1x128xi32, #tpu.memory_space<vmem>>
      %dma_start3A_340 = tpu.memref_squeeze %dma_start3A_339 : memref<1x128xi32, #tpu.memory_space<vmem>> -> memref<128xi32, #tpu.memory_space<vmem>>
      %dma_start3A_341 = arith.constant 0 : i32
      %dma_start3A_342 = arith.constant 0 : i32
      %dma_start3A_343 = tpu.memref_slice %arg2[%dma_start3A_341, %dma_start3A_342] : memref<100000x32xf32, #tpu.memory_space<hbm>> -> memref<100000x32xf32, #tpu.memory_space<hbm>>
      tpu.enqueue_indirect_dma source(%dma_start3A_343 : memref<100000x32xf32, #tpu.memory_space<hbm>>) target(%dma_start3A_337 : memref<128x32xf32, #tpu.memory_space<vmem>>) offsets(%dma_start3A_340 : memref<128xi32, #tpu.memory_space<vmem>>) semaphore(%arg8 : memref<!tpu.dma_semaphore, #tpu.memory_space<semaphore_mem>>)
      %dma_wait3A_344 = arith.constant 0 : i32
      %dma_wait3A_345 = arith.constant 0 : i32
      %dma_wait3A_346 = arith.constant 0 : i32
      %dma_wait3A_347 = tpu.memref_slice %arg7[%dma_wait3A_345, %dma_wait3A_346] : memref<1280x32xf32, #tpu.memory_space<vmem>> -> memref<128x32xf32, #tpu.memory_space<vmem>>
      %dma_wait3A_348 = arith.constant 0 : i32
      %dma_wait3A_349 = tpu.memref_slice %arg5[%dma_wait3A_344, %dma_wait3A_348] : memref<10x128xi32, #tpu.memory_space<vmem>> -> memref<1x128xi32, #tpu.memory_space<vmem>>
      %dma_wait3A_350 = tpu.memref_squeeze %dma_wait3A_349 : memref<1x128xi32, #tpu.memory_space<vmem>> -> memref<128xi32, #tpu.memory_space<vmem>>
      %dma_wait3A_351 = arith.constant 0 : i32
      %dma_wait3A_352 = arith.constant 0 : i32
      %dma_wait3A_353 = tpu.memref_slice %arg2[%dma_wait3A_351, %dma_wait3A_352] : memref<100000x32xf32, #tpu.memory_space<hbm>> -> memref<100000x32xf32, #tpu.memory_space<hbm>>
      tpu.wait_indirect_dma semaphore(%arg8 : memref<!tpu.dma_semaphore, #tpu.memory_space<semaphore_mem>>) src(%dma_wait3A_353 : memref<100000x32xf32, #tpu.memory_space<hbm>>) dst(%dma_wait3A_347 : memref<128x32xf32, #tpu.memory_space<vmem>>)
      %dma_wait3A_354 = arith.constant 1 : i32
      %dma_wait3A_355 = arith.constant 128 : i32
      %dma_wait3A_356 = arith.constant 0 : i32
      %dma_wait3A_357 = tpu.memref_slice %arg7[%dma_wait3A_355, %dma_wait3A_356] : memref<1280x32xf32, #tpu.memory_space<vmem>> -> memref<128x32xf32, #tpu.memory_space<vmem>>
      %dma_wait3A_358 = arith.constant 0 : i32
      %dma_wait3A_359 = tpu.memref_slice %arg5[%dma_wait3A_354, %dma_wait3A_358] : memref<10x128xi32, #tpu.memory_space<vmem>> -> memref<1x128xi32, #tpu.memory_space<vmem>>
      %dma_wait3A_360 = tpu.memref_squeeze %dma_wait3A_359 : memref<1x128xi32, #tpu.memory_space<vmem>> -> memref<128xi32, #tpu.memory_space<vmem>>
      %dma_wait3A_361 = arith.constant 0 : i32
      %dma_wait3A_362 = arith.constant 0 : i32
      %dma_wait3A_363 = tpu.memref_slice %arg2[%dma_wait3A_361, %dma_wait3A_362] : memref<100000x32xf32, #tpu.memory_space<hbm>> -> memref<100000x32xf32, #tpu.memory_space<hbm>>
      tpu.wait_indirect_dma semaphore(%arg8 : memref<!tpu.dma_semaphore, #tpu.memory_space<semaphore_mem>>) src(%dma_wait3A_363 : memref<100000x32xf32, #tpu.memory_space<hbm>>) dst(%dma_wait3A_357 : memref<128x32xf32, #tpu.memory_space<vmem>>)
      %dma_wait3A_364 = arith.constant 2 : i32
      %dma_wait3A_365 = arith.constant 256 : i32
      %dma_wait3A_366 = arith.constant 0 : i32
      %dma_wait3A_367 = tpu.memref_slice %arg7[%dma_wait3A_365, %dma_wait3A_366] : memref<1280x32xf32, #tpu.memory_space<vmem>> -> memref<128x32xf32, #tpu.memory_space<vmem>>
      %dma_wait3A_368 = arith.constant 0 : i32
      %dma_wait3A_369 = tpu.memref_slice %arg5[%dma_wait3A_364, %dma_wait3A_368] : memref<10x128xi32, #tpu.memory_space<vmem>> -> memref<1x128xi32, #tpu.memory_space<vmem>>
      %dma_wait3A_370 = tpu.memref_squeeze %dma_wait3A_369 : memref<1x128xi32, #tpu.memory_space<vmem>> -> memref<128xi32, #tpu.memory_space<vmem>>
      %dma_wait3A_371 = arith.constant 0 : i32
      %dma_wait3A_372 = arith.constant 0 : i32
      %dma_wait3A_373 = tpu.memref_slice %arg2[%dma_wait3A_371, %dma_wait3A_372] : memref<100000x32xf32, #tpu.memory_space<hbm>> -> memref<100000x32xf32, #tpu.memory_space<hbm>>
      tpu.wait_indirect_dma semaphore(%arg8 : memref<!tpu.dma_semaphore, #tpu.memory_space<semaphore_mem>>) src(%dma_wait3A_373 : memref<100000x32xf32, #tpu.memory_space<hbm>>) dst(%dma_wait3A_367 : memref<128x32xf32, #tpu.memory_space<vmem>>)
      %dma_wait3A_374 = arith.constant 3 : i32
      %dma_wait3A_375 = arith.constant 384 : i32
      %dma_wait3A_376 = arith.constant 0 : i32
      %dma_wait3A_377 = tpu.memref_slice %arg7[%dma_wait3A_375, %dma_wait3A_376] : memref<1280x32xf32, #tpu.memory_space<vmem>> -> memref<128x32xf32, #tpu.memory_space<vmem>>
      %dma_wait3A_378 = arith.constant 0 : i32
      %dma_wait3A_379 = tpu.memref_slice %arg5[%dma_wait3A_374, %dma_wait3A_378] : memref<10x128xi32, #tpu.memory_space<vmem>> -> memref<1x128xi32, #tpu.memory_space<vmem>>
      %dma_wait3A_380 = tpu.memref_squeeze %dma_wait3A_379 : memref<1x128xi32, #tpu.memory_space<vmem>> -> memref<128xi32, #tpu.memory_space<vmem>>
      %dma_wait3A_381 = arith.constant 0 : i32
      %dma_wait3A_382 = arith.constant 0 : i32
      %dma_wait3A_383 = tpu.memref_slice %arg2[%dma_wait3A_381, %dma_wait3A_382] : memref<100000x32xf32, #tpu.memory_space<hbm>> -> memref<100000x32xf32, #tpu.memory_space<hbm>>
      tpu.wait_indirect_dma semaphore(%arg8 : memref<!tpu.dma_semaphore, #tpu.memory_space<semaphore_mem>>) src(%dma_wait3A_383 : memref<100000x32xf32, #tpu.memory_space<hbm>>) dst(%dma_wait3A_377 : memref<128x32xf32, #tpu.memory_space<vmem>>)
      %dma_wait3A_384 = arith.constant 4 : i32
      %dma_wait3A_385 = arith.constant 512 : i32
      %dma_wait3A_386 = arith.constant 0 : i32
      %dma_wait3A_387 = tpu.memref_slice %arg7[%dma_wait3A_385, %dma_wait3A_386] : memref<1280x32xf32, #tpu.memory_space<vmem>> -> memref<128x32xf32, #tpu.memory_space<vmem>>
      %dma_wait3A_388 = arith.constant 0 : i32
      %dma_wait3A_389 = tpu.memref_slice %arg5[%dma_wait3A_384, %dma_wait3A_388] : memref<10x128xi32, #tpu.memory_space<vmem>> -> memref<1x128xi32, #tpu.memory_space<vmem>>
      %dma_wait3A_390 = tpu.memref_squeeze %dma_wait3A_389 : memref<1x128xi32, #tpu.memory_space<vmem>> -> memref<128xi32, #tpu.memory_space<vmem>>
      %dma_wait3A_391 = arith.constant 0 : i32
      %dma_wait3A_392 = arith.constant 0 : i32
      %dma_wait3A_393 = tpu.memref_slice %arg2[%dma_wait3A_391, %dma_wait3A_392] : memref<100000x32xf32, #tpu.memory_space<hbm>> -> memref<100000x32xf32, #tpu.memory_space<hbm>>
      tpu.wait_indirect_dma semaphore(%arg8 : memref<!tpu.dma_semaphore, #tpu.memory_space<semaphore_mem>>) src(%dma_wait3A_393 : memref<100000x32xf32, #tpu.memory_space<hbm>>) dst(%dma_wait3A_387 : memref<128x32xf32, #tpu.memory_space<vmem>>)
      %dma_wait3A_394 = arith.constant 5 : i32
      %dma_wait3A_395 = arith.constant 640 : i32
      %dma_wait3A_396 = arith.constant 0 : i32
      %dma_wait3A_397 = tpu.memref_slice %arg7[%dma_wait3A_395, %dma_wait3A_396] : memref<1280x32xf32, #tpu.memory_space<vmem>> -> memref<128x32xf32, #tpu.memory_space<vmem>>
      %dma_wait3A_398 = arith.constant 0 : i32
      %dma_wait3A_399 = tpu.memref_slice %arg5[%dma_wait3A_394, %dma_wait3A_398] : memref<10x128xi32, #tpu.memory_space<vmem>> -> memref<1x128xi32, #tpu.memory_space<vmem>>
      %dma_wait3A_400 = tpu.memref_squeeze %dma_wait3A_399 : memref<1x128xi32, #tpu.memory_space<vmem>> -> memref<128xi32, #tpu.memory_space<vmem>>
      %dma_wait3A_401 = arith.constant 0 : i32
      %dma_wait3A_402 = arith.constant 0 : i32
      %dma_wait3A_403 = tpu.memref_slice %arg2[%dma_wait3A_401, %dma_wait3A_402] : memref<100000x32xf32, #tpu.memory_space<hbm>> -> memref<100000x32xf32, #tpu.memory_space<hbm>>
      tpu.wait_indirect_dma semaphore(%arg8 : memref<!tpu.dma_semaphore, #tpu.memory_space<semaphore_mem>>) src(%dma_wait3A_403 : memref<100000x32xf32, #tpu.memory_space<hbm>>) dst(%dma_wait3A_397 : memref<128x32xf32, #tpu.memory_space<vmem>>)
      %dma_wait3A_404 = arith.constant 6 : i32
      %dma_wait3A_405 = arith.constant 768 : i32
      %dma_wait3A_406 = arith.constant 0 : i32
      %dma_wait3A_407 = tpu.memref_slice %arg7[%dma_wait3A_405, %dma_wait3A_406] : memref<1280x32xf32, #tpu.memory_space<vmem>> -> memref<128x32xf32, #tpu.memory_space<vmem>>
      %dma_wait3A_408 = arith.constant 0 : i32
      %dma_wait3A_409 = tpu.memref_slice %arg5[%dma_wait3A_404, %dma_wait3A_408] : memref<10x128xi32, #tpu.memory_space<vmem>> -> memref<1x128xi32, #tpu.memory_space<vmem>>
      %dma_wait3A_410 = tpu.memref_squeeze %dma_wait3A_409 : memref<1x128xi32, #tpu.memory_space<vmem>> -> memref<128xi32, #tpu.memory_space<vmem>>
      %dma_wait3A_411 = arith.constant 0 : i32
      %dma_wait3A_412 = arith.constant 0 : i32
      %dma_wait3A_413 = tpu.memref_slice %arg2[%dma_wait3A_411, %dma_wait3A_412] : memref<100000x32xf32, #tpu.memory_space<hbm>> -> memref<100000x32xf32, #tpu.memory_space<hbm>>
      tpu.wait_indirect_dma semaphore(%arg8 : memref<!tpu.dma_semaphore, #tpu.memory_space<semaphore_mem>>) src(%dma_wait3A_413 : memref<100000x32xf32, #tpu.memory_space<hbm>>) dst(%dma_wait3A_407 : memref<128x32xf32, #tpu.memory_space<vmem>>)
      %dma_wait3A_414 = arith.constant 7 : i32
      %dma_wait3A_415 = arith.constant 896 : i32
      %dma_wait3A_416 = arith.constant 0 : i32
      %dma_wait3A_417 = tpu.memref_slice %arg7[%dma_wait3A_415, %dma_wait3A_416] : memref<1280x32xf32, #tpu.memory_space<vmem>> -> memref<128x32xf32, #tpu.memory_space<vmem>>
      %dma_wait3A_418 = arith.constant 0 : i32
      %dma_wait3A_419 = tpu.memref_slice %arg5[%dma_wait3A_414, %dma_wait3A_418] : memref<10x128xi32, #tpu.memory_space<vmem>> -> memref<1x128xi32, #tpu.memory_space<vmem>>
      %dma_wait3A_420 = tpu.memref_squeeze %dma_wait3A_419 : memref<1x128xi32, #tpu.memory_space<vmem>> -> memref<128xi32, #tpu.memory_space<vmem>>
      %dma_wait3A_421 = arith.constant 0 : i32
      %dma_wait3A_422 = arith.constant 0 : i32
      %dma_wait3A_423 = tpu.memref_slice %arg2[%dma_wait3A_421, %dma_wait3A_422] : memref<100000x32xf32, #tpu.memory_space<hbm>> -> memref<100000x32xf32, #tpu.memory_space<hbm>>
      tpu.wait_indirect_dma semaphore(%arg8 : memref<!tpu.dma_semaphore, #tpu.memory_space<semaphore_mem>>) src(%dma_wait3A_423 : memref<100000x32xf32, #tpu.memory_space<hbm>>) dst(%dma_wait3A_417 : memref<128x32xf32, #tpu.memory_space<vmem>>)
      %dma_wait3A_424 = arith.constant 8 : i32
      %dma_wait3A_425 = arith.constant 1024 : i32
      %dma_wait3A_426 = arith.constant 0 : i32
      %dma_wait3A_427 = tpu.memref_slice %arg7[%dma_wait3A_425, %dma_wait3A_426] : memref<1280x32xf32, #tpu.memory_space<vmem>> -> memref<128x32xf32, #tpu.memory_space<vmem>>
      %dma_wait3A_428 = arith.constant 0 : i32
      %dma_wait3A_429 = tpu.memref_slice %arg5[%dma_wait3A_424, %dma_wait3A_428] : memref<10x128xi32, #tpu.memory_space<vmem>> -> memref<1x128xi32, #tpu.memory_space<vmem>>
      %dma_wait3A_430 = tpu.memref_squeeze %dma_wait3A_429 : memref<1x128xi32, #tpu.memory_space<vmem>> -> memref<128xi32, #tpu.memory_space<vmem>>
      %dma_wait3A_431 = arith.constant 0 : i32
      %dma_wait3A_432 = arith.constant 0 : i32
      %dma_wait3A_433 = tpu.memref_slice %arg2[%dma_wait3A_431, %dma_wait3A_432] : memref<100000x32xf32, #tpu.memory_space<hbm>> -> memref<100000x32xf32, #tpu.memory_space<hbm>>
      tpu.wait_indirect_dma semaphore(%arg8 : memref<!tpu.dma_semaphore, #tpu.memory_space<semaphore_mem>>) src(%dma_wait3A_433 : memref<100000x32xf32, #tpu.memory_space<hbm>>) dst(%dma_wait3A_427 : memref<128x32xf32, #tpu.memory_space<vmem>>)
      %dma_wait3A_434 = arith.constant 9 : i32
      %dma_wait3A_435 = arith.constant 1152 : i32
      %dma_wait3A_436 = arith.constant 0 : i32
      %dma_wait3A_437 = tpu.memref_slice %arg7[%dma_wait3A_435, %dma_wait3A_436] : memref<1280x32xf32, #tpu.memory_space<vmem>> -> memref<128x32xf32, #tpu.memory_space<vmem>>
      %dma_wait3A_438 = arith.constant 0 : i32
      %dma_wait3A_439 = tpu.memref_slice %arg5[%dma_wait3A_434, %dma_wait3A_438] : memref<10x128xi32, #tpu.memory_space<vmem>> -> memref<1x128xi32, #tpu.memory_space<vmem>>
      %dma_wait3A_440 = tpu.memref_squeeze %dma_wait3A_439 : memref<1x128xi32, #tpu.memory_space<vmem>> -> memref<128xi32, #tpu.memory_space<vmem>>
      %dma_wait3A_441 = arith.constant 0 : i32
      %dma_wait3A_442 = arith.constant 0 : i32
      %dma_wait3A_443 = tpu.memref_slice %arg2[%dma_wait3A_441, %dma_wait3A_442] : memref<100000x32xf32, #tpu.memory_space<hbm>> -> memref<100000x32xf32, #tpu.memory_space<hbm>>
      tpu.wait_indirect_dma semaphore(%arg8 : memref<!tpu.dma_semaphore, #tpu.memory_space<semaphore_mem>>) src(%dma_wait3A_443 : memref<100000x32xf32, #tpu.memory_space<hbm>>) dst(%dma_wait3A_437 : memref<128x32xf32, #tpu.memory_space<vmem>>)
      %mul3A_444 = arith.constant 128 : i32
      %mul3A_445 = arith.muli %add3A_238, %mul3A_444 : i32
      %dma_start3A_446 = arith.constant 0 : i32
      %dma_start3A_447 = tpu.memref_slice %arg4[%mul3A_445, %dma_start3A_446] : memref<819200x128xf32, #tpu.memory_space<hbm>> -> memref<1280x32xf32, #tpu.memory_space<hbm>>
      %dma_start3A_448 = arith.constant 0 : i32
      %dma_start3A_449 = tpu.memref_slice %arg4[%mul3A_445, %dma_start3A_448] : memref<819200x128xf32, #tpu.memory_space<hbm>> -> memref<1280x32xf32, #tpu.memory_space<hbm>>
      tpu.enqueue_dma source(%arg7 : memref<1280x32xf32, #tpu.memory_space<vmem>>) target(%dma_start3A_449 : memref<1280x32xf32, #tpu.memory_space<hbm>>) target_semaphore(%arg10 : memref<!tpu.dma_semaphore, #tpu.memory_space<semaphore_mem>>)
    }
    %scan3A_7 = arith.constant 10 : i32
    %dma_wait3A = arith.constant 0 : i32
    %dma_wait3A_8 = arith.constant 0 : i32
    %dma_wait3A_9 = tpu.memref_slice %arg4[%dma_wait3A, %dma_wait3A_8] : memref<819200x128xf32, #tpu.memory_space<hbm>> -> memref<1280x32xf32, #tpu.memory_space<hbm>>
    %dma_wait3A_10 = arith.constant 0 : i32
    %dma_wait3A_11 = arith.constant 0 : i32
    %dma_wait3A_12 = tpu.memref_slice %arg4[%dma_wait3A_10, %dma_wait3A_11] : memref<819200x128xf32, #tpu.memory_space<hbm>> -> memref<1280x32xf32, #tpu.memory_space<hbm>>
    tpu.wait_dma2 semaphore(%arg9 : memref<!tpu.dma_semaphore, #tpu.memory_space<semaphore_mem>>) src(%arg6 : memref<1280x32xf32, #tpu.memory_space<vmem>>) dst(%dma_wait3A_12 : memref<1280x32xf32, #tpu.memory_space<hbm>>)
    %dma_wait3A_13 = arith.constant 0 : i32
    %dma_wait3A_14 = arith.constant 0 : i32
    %dma_wait3A_15 = tpu.memref_slice %arg4[%dma_wait3A_13, %dma_wait3A_14] : memref<819200x128xf32, #tpu.memory_space<hbm>> -> memref<1280x32xf32, #tpu.memory_space<hbm>>
    %dma_wait3A_16 = arith.constant 0 : i32
    %dma_wait3A_17 = arith.constant 0 : i32
    %dma_wait3A_18 = tpu.memref_slice %arg4[%dma_wait3A_16, %dma_wait3A_17] : memref<819200x128xf32, #tpu.memory_space<hbm>> -> memref<1280x32xf32, #tpu.memory_space<hbm>>
    tpu.wait_dma2 semaphore(%arg10 : memref<!tpu.dma_semaphore, #tpu.memory_space<semaphore_mem>>) src(%arg7 : memref<1280x32xf32, #tpu.memory_space<vmem>>) dst(%dma_wait3A_18 : memref<1280x32xf32, #tpu.memory_space<hbm>>)
    return
  }
}

module attributes {stable_mosaic.version = 14 : i64} {
  func.func @_table_add_body(%arg0: i32, %arg1: memref<5000x128xf32, #tpu.memory_space<vmem>>, %arg2: memref<5000x128xf32, #tpu.memory_space<vmem>>, %arg3: memref<5000x128xf32, #tpu.memory_space<vmem>>) attributes {dimension_semantics = [#tpu.dimension_semantics<arbitrary>], iteration_bounds = array<i64: 5>, scalar_prefetch = 0 : i64, scratch_operands = 0 : i64, tpu.core_type = #tpu.core_type<tc>, window_params = [{transform_indices = @transform_0, window_bounds = array<i64: 5000, 128>}, {transform_indices = @transform_1, window_bounds = array<i64: 5000, 128>}, {transform_indices = @transform_2, window_bounds = array<i64: 5000, 128>}]} {
    %get3A = arith.constant 0 : index
    %get3A_0 = arith.constant 0 : index
    %get3A_1 = vector.load %arg1[%get3A, %get3A_0] : memref<5000x128xf32, #tpu.memory_space<vmem>>, vector<5000x128xf32>
    %get3A_2 = arith.constant 0 : index
    %get3A_3 = arith.constant 0 : index
    %get3A_4 = vector.load %arg2[%get3A_2, %get3A_3] : memref<5000x128xf32, #tpu.memory_space<vmem>>, vector<5000x128xf32>
    %add3A = arith.addf %get3A_1, %get3A_4 : vector<5000x128xf32>
    %swap3A = arith.constant 0 : index
    %swap3A_5 = arith.constant 0 : index
    %swap3A_6 = vector.load %arg3[%swap3A, %swap3A_5] : memref<5000x128xf32, #tpu.memory_space<vmem>>, vector<5000x128xf32>
    tpu.vector_store %arg3[%swap3A, %swap3A_5], %add3A {strides = array<i32>} : memref<5000x128xf32, #tpu.memory_space<vmem>>, vector<5000x128xf32>,
    return
  }
  func.func @transform_0(%arg0: i32) -> (i32, i32) {
    %c0_i32 = arith.constant 0 : i32
    %c0_i32_0 = arith.constant 0 : i32
    return %arg0, %c0_i32 : i32, i32
  }
  func.func @transform_1(%arg0: i32) -> (i32, i32) {
    %c0_i32 = arith.constant 0 : i32
    %c0_i32_0 = arith.constant 0 : i32
    return %arg0, %c0_i32 : i32, i32
  }
  func.func @transform_2(%arg0: i32) -> (i32, i32) {
    %c0_i32 = arith.constant 0 : i32
    %c0_i32_0 = arith.constant 0 : i32
    return %arg0, %c0_i32 : i32, i32
  }
}

</mosaic_0001>

<sc_bundles>
// kernel: kernel.4.cloned.1.call-start
scs
__scs_entry_jumppad:
0x0: {  	(pc) =	sbr.rel $0x88, $3  }
0x1: {  	(tag) =	ssettag $0x0;
	lr =	simm.s32 $0x1  }
0x2: {  	[smem:$0x3F9E] =	sst lr;
	_ =	strace $0xD0000000  }
0x3: {  	_ = 	snop  }
0x4: {  	_ = 	snop  }
0x5: {  	_ = 	snop  }
0x6: {  	_ = 	snop  }
0x7: {  	_ = 	snop  }
__scs_overlays_trampoline_lowered:
0x8: {  	[smem:$0x3FAD] =	sst s0  }
0x9: {  	[smem:$0x3FAE] =	sst s1  }
0xa: {  	[smem:$0x3FAF] =	sst s2  }
0xb: {  	[smem:$0x3FB0] =	sst s3  }
0xc: {  	[smem:$0x3FB1] =	sst s4  }
0xd: {  	[smem:$0x3FB2] =	sst s5  }
0xe: {  	[smem:$0x3FB3] =	sst s6  }
0xf: {  	[smem:$0x3FB4] =	sst s7  }
0x10: {  	[smem:$0x3FB5] =	sst s8  }
0x11: {  	[smem:$0x3FB6] =	sst s9;
	s0 =	simm.s32 @!p0 $0x0  }
0x12: {  	s1 =	sld [smem:$0x3F9C];
	s0 =	simm.s32 @p0 $0x1  }
0x13: {  	[smem:$0x3FB7] =	sst s0;
	s0 =	simm.s32 @!p1 $0x0  }
0x14: {  	s2 =	sld [smem:$0x3F9B];
	s0 =	simm.s32 @p1 $0x1  }
0x15: {  	[smem:$0x3FB8] =	sst s0;
	s0 =	simm.s32 @!p2 $0x0  }
0x16: {  	s3 =	sld [smem:$0x3FDB];
	s0 =	simm.s32 @p2 $0x1  }
0x17: {  	s4 =	simm.s32 $0x1BF5;
	[smem:$0x3FBA] =	sst s0  }
0x18: {  	s0 =	sld [smem:$0x3F9D];
	_ =	swait.ge [sflag:s4], $0x0  }
0x19: {  	s7 =	sld [smem:$0x3F9E]  }
0x1a: {  	s8 =	sadd.s32 $0xFFFFE003, lr  }
0x1b: {  	s9 =	sadd.s32 $0xFFFFFEF7, lr;
	s5 =	simm.s32 $0xFFFFFFFF;
	p2 =	slt.u32 s8, $0xFFFFF086  }
0x1c: {  	p1 =	slt.u32 s9, $0xF7A;
	s5 =	simm.s32 @!p2 $0x0  }
0x1d: {  	s5 =	simm.s32 @p1 $0x1;
	p0 =	seq.s32 s7, s2  }
0x1e: {  	s7 =	smul.u32 @!p0 $0xF7A, s2;
	p2 =	seq.s32 @!p0 s5, $0x0  }
0x1f: {  	s9 =	smul.u32 $0xF7A, s1;
	s8 =	simm.s32 @!p0 $0x1BF5;
	p2 =	por !p2, p0  }
0x20: {  	[sflag:s8] =	ssyncset.s32 @!p0 $0xFFFFF086;
	s6 =	sadd.s32 @!p0 s3, s7;
	s7 =	simm.s32 @!p0 $0x108  }
0x21: {  	s3 =	sadd.s32 s3, s9;
	s6 =	sadd.s32 @!p0 $0x88, s6;
	s7 =	simm.s32 @p2 $0x1082  }
0x22: {  	[simem:s7], [sflag:s8] =	dma.local @!p0 [hbm:s6], $0xF7A  }
0x23: {  	s9 =	sor.u32 $0xD0000000, s2;
	s6 =	simm.s32 $0x108;
	_ =	swait.ge @!p0 [sflag:s8], $0x0  }
0x24: {  	s3 =	sadd.s32 $0x88, s3;
	s6 =	simm.s32 @!p1 $0x1082;
	[sflag:s4] =	ssyncset.s32 $0xFFFFF086  }
0x25: {  	[simem:s6], [sflag:s4] =	dma.local [hbm:s3], $0xF7A  }
0x26: {  	[smem:$0x3F9E] =	sst s1;
	(tag) =	ssettag s2;
	_ =	strace s9  }
0x27: {  	s1 =	sld [smem:$0x3FAE]  }
0x28: {  	s2 =	sld [smem:$0x3FAF]  }
0x29: {  	s4 =	sld [smem:$0x3FB1]  }
0x2a: {  	p0 =	seq.s32 s5, $0x0;
	s5 =	sld [smem:$0x3FB2]  }
0x2b: {  	s6 =	sld [smem:$0x3FB3]  }
0x2c: {  	s7 =	sld [smem:$0x3FB4]  }
0x2d: {  	s3 =	simm.s32 $0x108;
	s8 =	sld [smem:$0x3FB5]  }
0x2e: {  	s3 =	simm.s32 @!p0 $0x1082;
	s9 =	sld [smem:$0x3FB6]  }
0x2f: {  	lr =	sadd.s32 s0, s3;
	s0 =	sld [smem:$0x3FAD]  }
0x30: {  	s3 =	sld [smem:$0x3FB0]  }
0x31: {  	[smem:$0x3FB9] =	sst s10  }
0x32: {  	s10 =	sld [smem:$0x3FB7];
	_ =	sdelay $0x3  }
0x33: {  	p0 =	seq.s32 s10, $0x1;
	s10 =	sld [smem:$0x3FB9];
	_ =	sdelay $0x3  }
0x34: {  	[smem:$0x3FB9] =	sst s10  }
0x35: {  	s10 =	sld [smem:$0x3FB8];
	_ =	sdelay $0x3  }
0x36: {  	p1 =	seq.s32 s10, $0x1;
	s10 =	sld [smem:$0x3FB9];
	_ =	sdelay $0x3  }
0x37: {  	[smem:$0x3FB9] =	sst s10  }
0x38: {  	s10 =	sld [smem:$0x3FBA]  }
0x39: {  	_ = 	snop;
	(pc) =	sbr.ind lr, $3  }
0x3a: {  	_ = 	snop  }
0x3b: {  	_ = 	snop  }
0x3c: {  	p2 =	seq.s32 s10, $0x1;
	s10 =	sld [smem:$0x3FB9]  }
0x3d: {  	_ =	shalt  }
0x3e: {  	_ =	shalt  }
0x3f: {  	_ =	shalt  }
0x40: {  	_ =	shalt  }
0x41: {  	_ =	shalt  }
0x42: {  	_ =	shalt  }
0x43: {  	_ =	shalt  }
0x44: {  	_ =	shalt  }
0x45: {  	_ =	shalt  }
0x46: {  	_ =	shalt  }
0x47: {  	_ =	shalt  }
0x48: {  	_ =	shalt  }
0x49: {  	_ =	shalt  }
0x4a: {  	_ =	shalt  }
0x4b: {  	_ =	shalt  }
0x4c: {  	_ =	shalt  }
0x4d: {  	_ =	shalt  }
0x4e: {  	_ =	shalt  }
0x4f: {  	_ =	shalt  }
0x50: {  	_ =	shalt  }
0x51: {  	_ =	shalt  }
0x52: {  	_ =	shalt  }
0x53: {  	_ =	shalt  }
0x54: {  	_ =	shalt  }
0x55: {  	_ =	shalt  }
0x56: {  	_ =	shalt  }
0x57: {  	_ =	shalt  }
0x58: {  	_ =	shalt  }
0x59: {  	_ =	shalt  }
0x5a: {  	_ =	shalt  }
0x5b: {  	_ =	shalt  }
0x5c: {  	_ =	shalt  }
0x5d: {  	_ =	shalt  }
0x5e: {  	_ =	shalt  }
0x5f: {  	_ =	shalt  }
0x60: {  	_ =	shalt  }
0x61: {  	_ =	shalt  }
0x62: {  	_ =	shalt  }
0x63: {  	_ =	shalt  }
0x64: {  	_ =	shalt  }
0x65: {  	_ =	shalt  }
0x66: {  	_ =	shalt  }
0x67: {  	_ =	shalt  }
0x68: {  	_ =	shalt  }
0x69: {  	_ =	shalt  }
0x6a: {  	_ =	shalt  }
0x6b: {  	_ =	shalt  }
0x6c: {  	_ =	shalt  }
0x6d: {  	_ =	shalt  }
0x6e: {  	_ =	shalt  }
0x6f: {  	_ =	shalt  }
0x70: {  	_ =	shalt  }
0x71: {  	_ =	shalt  }
0x72: {  	_ =	shalt  }
0x73: {  	_ =	shalt  }
0x74: {  	_ =	shalt  }
0x75: {  	_ =	shalt  }
0x76: {  	_ =	shalt  }
0x77: {  	_ =	shalt  }
0x78: {  	_ =	shalt  }
0x79: {  	_ =	shalt  }
0x7a: {  	_ =	shalt  }
0x7b: {  	_ =	shalt  }
0x7c: {  	_ =	shalt  }
0x7d: {  	_ =	shalt  }
0x7e: {  	_ =	shalt  }
0x7f: {  	_ =	shalt  }
0x80: {  	_ =	shalt  }
0x81: {  	_ =	shalt  }
0x82: {  	_ =	shalt  }
0x83: {  	_ =	shalt  }
0x84: {  	_ =	shalt  }
0x85: {  	_ =	shalt  }
0x86: {  	_ =	shalt  }
0x87: {  	_ =	shalt  }
.Lfunc_end0:
.L_simem_size_0:
called_computation.1_lowered:
.L_overlay_start_0:
0x88: {  	s2 =	sld [smem:$0x3FD9]  }
0x89: {  	s3 =	sld [smem:$0x3FFE];
	_ =	sdelay $0x1  }
0x8a: {  	s1 =	srdreg.scid  }
0x8b: {  	s0 =	sand.u32 $0x1, s1  }
0x8c: {  	s17 =	sshll.u32 s0, $0xA;
	s2 =	sadd.s32 s3, s2  }
0x8d: {  	s2 =	sadd.s32 s2, s17  }
0x8e: {  	[smem:$0x3FC5] =	sst s2  }
0x8f: {  	_ = 	snop  }
0x90: {  	s2 =	sld [smem:$0x3FD0];
	(tm) =	ssettm $0x1  }
0x91: {  	s18 =	sld [smem:$0x3FFB];
	_ =	sdelay $0x3  }
0x92: {  	_ =	strace s18  }
0x93: {  	s3 =	sld [smem:$0x3FFC];
	_ =	sdelay $0x3  }
0x94: {  	_ =	strace s3  }
0x95: {  	s3 =	sld [smem:$0x3FFD];
	_ =	sdelay $0x3  }
0x96: {  	_ =	strace s3  }
0x97: {  	_ =	strace $0x8FFFFFFF  }
0x98: {  	s19 =	sld [smem:$0x3FDB];
	_ =	sdelay $0x1  }
0x99: {  	s4 =	simm.s32 $_scs_section_size  }
0x9a: {  	s5 =	simm.s32 $_size__tile_overlayer_lowered;
	s6 =	simm.s32 $_tile_overlayer_lowered  }
0x9b: {  	s22 =	simm.s32 $0x1BFF;
	s21 =	sshll.u32 s6, $0x1;
	s3 =	sadd.s32 s4, s19  }
0x9c: {  	s7 =	simm.s32 $0x0;
	s20 =	sshll.u32 s5, $0x1;
	s5 =	sadd.s32 s21, s3  }
0x9d: {  	[timem:s7], [sflag:s22] =	dma.local [hbm:s5], s20  }
0x9e: {  	_ =	swait.ge [sflag:s22], s20  }
0x9f: {  	s4 =	ssub.s32 $0x0, s20;
	[sflag:s22] =	ssyncset.done $0x0  }
0xa0: {  	[sflag:s22] =	ssyncadd.s32 s4;
	_ =	sdelay $0x1  }
0xa1: {  	s23 =	simm.s32 $0x1B8B  }
0xa2: {  	_ =	swait.ge [sflag:s23], $0x1  }
0xa3: {  	[sflag:s23] =	ssyncset.done $0x0  }
0xa4: {  	s25 =	simm.s32 $0x1B8E;
	s24 =	sld [smem:$0x3FFE];
	[sflag:s23] =	ssyncadd.s32 $0xFFFFFFFF  }
0xa5: {  	s26 =	simm.s32 $execute0_lowered;
	[smem:$0x3FD2] =	sst s25  }
0xa6: {  	s5 =	sshll.u32 s26, $0x1;
	_ =	strace $0x80000046;
	[dreg:$0x1] =	wrdreg $0xFFFFFFFF  }
0xa7: {  	s28 =	simm.s32 $_size_execute0_lowered;
	s3 =	sadd.s32 s3, s5;
	[dreg:$0x0] =	wrdreg $0x0  }
0xa8: {  	s5 =	sshll.u32 s28, $0x1;
	[dreg:$0x2] =	wrdreg s3  }
0xa9: {  	[dreg:$0x3] =	wrdreg s5  }
0xaa: {  	[dreg:$0x4] =	wrdreg $0xC0  }
0xab: {  	_ =	task [dreg:s7], $0x5FFFF  }
0xac: {  	[dreg:$0x1] =	wrdreg $0xFFFFFFFF  }
0xad: {  	[dreg:$0x0] =	wrdreg $0x60  }
0xae: {  	[dreg:$0x2] =	wrdreg s2  }
0xaf: {  	[dreg:$0x3] =	wrdreg s24  }
0xb0: {  	[dreg:$0x4] =	wrdreg $0x9  }
0xb1: {  	_ =	task.clear_ibuf [dreg:s7], $0x5FFFF;
	_ =	strace $0x90000046  }
0xb2: {  	s29 =	simm.s32 $0x9;
	_ =	strace $0x80000048  }
0xb3: {  	_ =	swait.ge [sflag:s29], $0x1  }
0xb4: {  	[sflag:s29] =	ssyncadd.s32 $0xFFFFFFFF  }
0xb5: {  	_ =	strace $0x90000048  }
0xb6: {  	_ =	sfence  }
0xb7: {  	s30 =	sld [smem:$0x0];
	_ =	sdelay $0x2  }
0xb8: {  	s31 =	sshll.u32 s1, $0xD;
	s1 =	sshrl.u32 s1, $0x2  }
0xb9: {  	s3 =	sand.u32 $0x4000, s31;
	s1 =	sadd.s32 s1, s30  }
0xba: {  	s0 =	sor.u32 s3, s0;
	s1 =	sshll.u32 s1, $0x11  }
0xbb: {  	s0 =	sor.u32 s1, s0  }
0xbc: {  	s0 =	sadd.s32 $0x8F2B, s0  }
0xbd: {  	[sflag:s0] =	ssyncadd.remote.s32 $0x1  }
0xbe: {  	_ =	sfence.sel $0xFFFF  }
0xbf: {  	[dreg:$0x0] =	wrdreg $0xFFFFFFFF;
	(pc) =	sbr.abs _section_cstart, $3  }
0xc0: {  	[dreg:$0x1] =	wrdreg $0xFFFFFFFF  }
0xc1: {  	_ =	task.clear_ibuf [dreg:s7], $0x2FFFF;
	_ =	strace $0x9FFFFFFF  }
0xc2: {  	(tm) =	ssettm $0x7FFFFFFF  }
0xc3: {  	_ =	shalt  }
tec
execute0_lowered:
.L_overlay_start_1:
0x0: {  	(tag) =	ssettag $0x1  }
0x1: {  	s2 =	rddreg [dreg:$0x0];
	s0 =	srdreg.scid  }
0x2: {  	s9 =	stileid.u32;
	s1 =	rddreg [dreg:$0x1];
	s3 =	simm.s32 $0x0  }
0x3: {  	s18 =	simm.s32 $0x1500;
	s19 =	simm.s32 $0x2500;
	s20 =	simm.s32 $0x3500  }
0x4: {  	s10 =	simm.s32 $0x100;
	s21 =	simm.s32 $0x4500;
	s11 =	simm.s32 $0x180  }
0x5: {  	s22 =	simm.s32 $0x5500;
	s23 =	simm.s32 $0x6500;
	[smem:$0x7FF] =	sst s3  }
0x6: {  	s24 =	simm.s32 $0x7500;
	_ =	strace $0x80000047;
	[dreg:$0x5] =	wrdreg s18  }
0x7: {  	s25 =	simm.s32 $0x8500;
	s26 =	simm.s32 $0x9500;
	[dreg:$0x6] =	wrdreg s19  }
0x8: {  	s28 =	simm.s32 $0xB500;
	s29 =	simm.s32 $0xC500;
	[dreg:$0x7] =	wrdreg s20  }
0x9: {  	s31 =	simm.s32 $0xD500;
	s30 =	simm.s32 $0x0;
	[dreg:$0x8] =	wrdreg s21  }
0xa: {  	s0 =	sand.u32 $0x1, s0;
	s4 =	smul.u32 $0x190, s9;
	[dreg:$0x9] =	wrdreg s22  }
0xb: {  	s6 =	sadd.s32 $0x1C00, s1;
	s8 =	smul.u32 $0xC8000, s9;
	[dreg:$0xa] =	wrdreg s23  }
0xc: {  	s1 =	sadd.s32 $0x1AC00, s1;
	s16 =	smul.u32 $0x1900, s9;
	[dreg:$0xb] =	wrdreg s24  }
0xd: {  	s9 =	simm.s32 $0x500;
	s5 =	smul.u32 $0xC8, s0;
	[dreg:$0xc] =	wrdreg s25  }
0xe: {  	s12 =	ssub.s32 $0x2, s0;
	s15 =	smul.u32 $0x64000, s0;
	[dreg:$0xd] =	wrdreg s26  }
0xf: {  	s0 =	smul.u32 $0xC80, s0;
	[dreg:$0xe] =	wrdreg s28;
	s18 =	simm.s32 $0x1  }
0x10: {  	[dreg:$0xf] =	wrdreg s29;
	s19 =	simm.s32 $0x20;
	s20 =	simm.s32 $0xA500  }
0x11: {  	[dreg:$0x10] =	wrdreg s31;
	s21 =	simm.s32 $0xE500;
	s22 =	simm.s32 $0xF500  }
0x12: {  	s23 =	simm.s32 $0x10500;
	s24 =	simm.s32 $0x11500;
	s25 =	simm.s32 $0x12500  }
0x13: {  	s26 =	simm.s32 $0x13500;
	s7 =	sshrl.u32 s12, $0x1;
	s4 =	sadd.s32 s5, s4  }
0x14: {  	s17 =	sadd.s32 s16, s6;
	s16 =	simm.s32 $0x400;
	s4 =	sadd.s32 $0xA, s4  }
0x15: {  	s5 =	ssub.s32 s12, s7;
	s7 =	simm.s32 $0x4;
	s4 =	sshrl.u32 s4, $0x1  }
0x16: {  	s12 =	simm.s32 $0x200;
	s5 =	smax.u32 s5, $0x1;
	s13 =	sshll.u32 s4, $0xC  }
0x17: {  	[dreg:$0x11] =	wrdreg s5;
	s4 =	sshll.u32 s4, $0x5;
	s14 =	sadd.s32 s13, s1  }
0x18: {  	s1 =	sadd.s32 s8, s1;
	s4 =	sadd.s32 s4, s6;
	s6 =	sadd.s32 s0, s17  }
0x19: {  	s8 =	simm.s32 $0x80;
	s13 =	simm.s32 $0x280;
	[dreg:$0x3] =	wrdreg s14  }
0x1a: {  	s17 =	simm.s32 $0x480;
	s1 =	sadd.s32 s15, s1;
	[dreg:$0x12] =	wrdreg s4  }
0x1b: {  	s14 =	simm.s32 $0x300;
	s15 =	simm.s32 $0x380;
	[dreg:$0x4] =	wrdreg s1  }
.LBB2_1:
0x1c: {  	p0 =	por $0x1, $0x1  }
0x1d: {  	s0 =	simm.s32 @!p0 $0x2  }
0x1e: {  	_ =	swait.ge @!p0 [sflag:s0], $0xA000  }
0x1f: {  	[sflag:s0] =	ssyncset.done @!p0 $0x0  }
0x20: {  	[sflag:s0] =	ssyncadd.s32 @!p0 $0xFFFF6000  }
0x21: {  	[tilespmem:s3], [sflag:$0x4] =	stream.linear.gather [hbm4b:s6+s3], $0x500, $0x38;
	[tilespmem:$0x14500] =	vst v63  }
0x22: {  	_ =	swait.ge [sflag:s7], $0x500  }
0x23: {  	[sflag:s7] =	ssyncset.done $0x0  }
0x24: {  	[sflag:s7] =	ssyncadd.s32 $0xFFFFFB00  }
0x25: {  	[tilespmem:s9], [sflag:$0x1] =	stream.indirect.gather [hbm4b:s2+s8], $0x20, s3, s8, $0xb8;
	[tilespmem:$0x14500] =	vst v63  }
0x26: {  	s4 =	rddreg [dreg:$0x5]  }
0x27: {  	[tilespmem:s4], [sflag:$0x1] =	stream.indirect.gather [hbm4b:s2+s8], $0x20, s8, s8, $0xb8;
	[tilespmem:$0x14500] =	vst v63  }
0x28: {  	s1 =	rddreg [dreg:$0x6]  }
0x29: {  	[tilespmem:s1], [sflag:$0x1] =	stream.indirect.gather [hbm4b:s2+s8], $0x20, s10, s8, $0xb8;
	[tilespmem:$0x14500] =	vst v63  }
0x2a: {  	s5 =	rddreg [dreg:$0x7]  }
0x2b: {  	[tilespmem:s5], [sflag:$0x1] =	stream.indirect.gather [hbm4b:s2+s8], $0x20, s11, s8, $0xb8;
	[tilespmem:$0x14500] =	vst v63  }
0x2c: {  	s4 =	rddreg [dreg:$0x8]  }
0x2d: {  	[tilespmem:s4], [sflag:$0x1] =	stream.indirect.gather [hbm4b:s2+s8], $0x20, s12, s8, $0xb8;
	[tilespmem:$0x14500] =	vst v63  }
0x2e: {  	s5 =	rddreg [dreg:$0x9]  }
0x2f: {  	[tilespmem:s5], [sflag:$0x1] =	stream.indirect.gather [hbm4b:s2+s8], $0x20, s13, s8, $0xb8;
	[tilespmem:$0x14500] =	vst v63  }
0x30: {  	s4 =	rddreg [dreg:$0xa]  }
0x31: {  	[tilespmem:s4], [sflag:$0x1] =	stream.indirect.gather [hbm4b:s2+s8], $0x20, s14, s8, $0xb8;
	[tilespmem:$0x14500] =	vst v63  }
0x32: {  	s5 =	rddreg [dreg:$0xb]  }
0x33: {  	[tilespmem:s5], [sflag:$0x1] =	stream.indirect.gather [hbm4b:s2+s8], $0x20, s15, s8, $0xb8;
	[tilespmem:$0x14500] =	vst v63  }
0x34: {  	s4 =	rddreg [dreg:$0xc]  }
0x35: {  	[tilespmem:s4], [sflag:$0x1] =	stream.indirect.gather [hbm4b:s2+s8], $0x20, s16, s8, $0xb8;
	[tilespmem:$0x14500] =	vst v63  }
0x36: {  	s5 =	rddreg [dreg:$0xd]  }
0x37: {  	[tilespmem:s5], [sflag:$0x1] =	stream.indirect.gather [hbm4b:s2+s8], $0x20, s17, s8, $0xb8;
	[tilespmem:$0x14500] =	vst v63  }
0x38: {  	_ =	swait.ge [sflag:s18], $0x1000  }
0x39: {  	[sflag:s18] =	ssyncset.done $0x0  }
0x3a: {  	[sflag:s18] =	ssyncadd.s32 $0xFFFFF000  }
0x3b: {  	_ =	swait.ge [sflag:s18], $0x1000  }
0x3c: {  	[sflag:s18] =	ssyncset.done $0x0  }
0x3d: {  	[sflag:s18] =	ssyncadd.s32 $0xFFFFF000  }
0x3e: {  	_ =	swait.ge [sflag:s18], $0x1000  }
0x3f: {  	[sflag:s18] =	ssyncset.done $0x0  }
0x40: {  	[sflag:s18] =	ssyncadd.s32 $0xFFFFF000  }
0x41: {  	_ =	swait.ge [sflag:s18], $0x1000  }
0x42: {  	[sflag:s18] =	ssyncset.done $0x0  }
0x43: {  	[sflag:s18] =	ssyncadd.s32 $0xFFFFF000  }
0x44: {  	_ =	swait.ge [sflag:s18], $0x1000  }
0x45: {  	[sflag:s18] =	ssyncset.done $0x0  }
0x46: {  	[sflag:s18] =	ssyncadd.s32 $0xFFFFF000  }
0x47: {  	_ =	swait.ge [sflag:s18], $0x1000  }
0x48: {  	[sflag:s18] =	ssyncset.done $0x0  }
0x49: {  	[sflag:s18] =	ssyncadd.s32 $0xFFFFF000  }
0x4a: {  	_ =	swait.ge [sflag:s18], $0x1000  }
0x4b: {  	[sflag:s18] =	ssyncset.done $0x0  }
0x4c: {  	[sflag:s18] =	ssyncadd.s32 $0xFFFFF000  }
0x4d: {  	_ =	swait.ge [sflag:s18], $0x1000  }
0x4e: {  	[sflag:s18] =	ssyncset.done $0x0  }
0x4f: {  	[sflag:s18] =	ssyncadd.s32 $0xFFFFF000  }
0x50: {  	_ =	swait.ge [sflag:s18], $0x1000  }
0x51: {  	[sflag:s18] =	ssyncset.done $0x0  }
0x52: {  	[sflag:s18] =	ssyncadd.s32 $0xFFFFF000  }
0x53: {  	_ =	swait.ge [sflag:s18], $0x1000  }
0x54: {  	s1 =	rddreg [dreg:$0x4];
	[sflag:s18] =	ssyncset.done $0x0  }
0x55: {  	[sflag:s18] =	ssyncadd.s32 $0xFFFFF000;
	s0 =	sadd.s32 $0x0, s1;
	s1 =	simm.s32 @!p0 $0x3  }
0x56: {  	[hbm4b:s0+s19] =	stream.strided.scatter [tilespmem:s9], [sflag:$0x2], $0xA000, s8, s19, $0x38;
	[tilespmem:$0x14500] =	vst v63  }
0x57: {  	_ =	swait.ge @!p0 [sflag:s1], $0xA000  }
0x58: {  	[sflag:s1] =	ssyncset.done @!p0 $0x0  }
0x59: {  	s5 =	rddreg [dreg:$0x12];
	[sflag:s1] =	ssyncadd.s32 @!p0 $0xFFFF6000  }
0x5a: {  	[tilespmem:s3], [sflag:$0x4] =	stream.linear.gather [hbm4b:s5+s3], $0x500, $0x38;
	[tilespmem:$0x14500] =	vst v63  }
0x5b: {  	_ =	swait.ge [sflag:s7], $0x500  }
0x5c: {  	[sflag:s7] =	ssyncset.done $0x0  }
0x5d: {  	[sflag:s7] =	ssyncadd.s32 $0xFFFFFB00  }
0x5e: {  	[tilespmem:s20], [sflag:$0x1] =	stream.indirect.gather [hbm4b:s2+s8], $0x20, s3, s8, $0xb8;
	[tilespmem:$0x14500] =	vst v63  }
0x5f: {  	s4 =	rddreg [dreg:$0xe]  }
0x60: {  	[tilespmem:s4], [sflag:$0x1] =	stream.indirect.gather [hbm4b:s2+s8], $0x20, s8, s8, $0xb8;
	[tilespmem:$0x14500] =	vst v63  }
0x61: {  	s1 =	rddreg [dreg:$0xf]  }
0x62: {  	[tilespmem:s1], [sflag:$0x1] =	stream.indirect.gather [hbm4b:s2+s8], $0x20, s10, s8, $0xb8;
	[tilespmem:$0x14500] =	vst v63  }
0x63: {  	s4 =	rddreg [dreg:$0x10]  }
0x64: {  	[tilespmem:s4], [sflag:$0x1] =	stream.indirect.gather [hbm4b:s2+s8], $0x20, s11, s8, $0xb8;
	[tilespmem:$0x14500] =	vst v63  }
0x65: {  	_ = 	snop  }
0x66: {  	[tilespmem:s21], [sflag:$0x1] =	stream.indirect.gather [hbm4b:s2+s8], $0x20, s12, s8, $0xb8;
	[tilespmem:$0x14500] =	vst v63  }
0x67: {  	_ = 	snop  }
0x68: {  	[tilespmem:s22], [sflag:$0x1] =	stream.indirect.gather [hbm4b:s2+s8], $0x20, s13, s8, $0xb8;
	[tilespmem:$0x14500] =	vst v63  }
0x69: {  	_ = 	snop  }
0x6a: {  	[tilespmem:s23], [sflag:$0x1] =	stream.indirect.gather [hbm4b:s2+s8], $0x20, s14, s8, $0xb8;
	[tilespmem:$0x14500] =	vst v63  }
0x6b: {  	_ = 	snop  }
0x6c: {  	[tilespmem:s24], [sflag:$0x1] =	stream.indirect.gather [hbm4b:s2+s8], $0x20, s15, s8, $0xb8;
	[tilespmem:$0x14500] =	vst v63  }
0x6d: {  	_ = 	snop  }
0x6e: {  	[tilespmem:s25], [sflag:$0x1] =	stream.indirect.gather [hbm4b:s2+s8], $0x20, s16, s8, $0xb8;
	[tilespmem:$0x14500] =	vst v63  }
0x6f: {  	_ = 	snop  }
0x70: {  	[tilespmem:s26], [sflag:$0x1] =	stream.indirect.gather [hbm4b:s2+s8], $0x20, s17, s8, $0xb8;
	[tilespmem:$0x14500] =	vst v63  }
0x71: {  	_ =	swait.ge [sflag:s18], $0x1000  }
0x72: {  	[sflag:s18] =	ssyncset.done $0x0  }
0x73: {  	[sflag:s18] =	ssyncadd.s32 $0xFFFFF000  }
0x74: {  	_ =	swait.ge [sflag:s18], $0x1000  }
0x75: {  	[sflag:s18] =	ssyncset.done $0x0  }
0x76: {  	[sflag:s18] =	ssyncadd.s32 $0xFFFFF000  }
0x77: {  	_ =	swait.ge [sflag:s18], $0x1000  }
0x78: {  	[sflag:s18] =	ssyncset.done $0x0  }
0x79: {  	[sflag:s18] =	ssyncadd.s32 $0xFFFFF000  }
0x7a: {  	_ =	swait.ge [sflag:s18], $0x1000  }
0x7b: {  	[sflag:s18] =	ssyncset.done $0x0  }
0x7c: {  	[sflag:s18] =	ssyncadd.s32 $0xFFFFF000  }
0x7d: {  	_ =	swait.ge [sflag:s18], $0x1000  }
0x7e: {  	[sflag:s18] =	ssyncset.done $0x0  }
0x7f: {  	[sflag:s18] =	ssyncadd.s32 $0xFFFFF000  }
0x80: {  	_ =	swait.ge [sflag:s18], $0x1000  }
0x81: {  	[sflag:s18] =	ssyncset.done $0x0  }
0x82: {  	[sflag:s18] =	ssyncadd.s32 $0xFFFFF000  }
0x83: {  	_ =	swait.ge [sflag:s18], $0x1000  }
0x84: {  	[sflag:s18] =	ssyncset.done $0x0  }
0x85: {  	[sflag:s18] =	ssyncadd.s32 $0xFFFFF000  }
0x86: {  	_ =	swait.ge [sflag:s18], $0x1000  }
0x87: {  	[sflag:s18] =	ssyncset.done $0x0  }
0x88: {  	[sflag:s18] =	ssyncadd.s32 $0xFFFFF000  }
0x89: {  	_ =	swait.ge [sflag:s18], $0x1000  }
0x8a: {  	[sflag:s18] =	ssyncset.done $0x0  }
0x8b: {  	s31 =	simm.s32 $0xA000;
	[sflag:s18] =	ssyncadd.s32 $0xFFFFF000  }
0x8c: {  	p1 =	por $0x0, $0x0;
	s28 =	simm.s32 $0x0;
	_ =	swait.ge [sflag:s18], $0x1000  }
0x8d: {  	s0 =	sadd.s32 $0x140, s6;
	s1 =	sadd.s32 $0x140, s5;
	[sflag:s18] =	ssyncset.done $0x0  }
0x8e: {  	s4 =	simm.s32 $0x14000;
	s29 =	rddreg [dreg:$0x3];
	[sflag:s18] =	ssyncadd.s32 $0xFFFFF000  }
.LBB2_2:
0x8f: {  	s5 =	simm.s32 @!p1 $0x2;
	s29 =	sadd.s32 s28, s29  }
0x90: {  	[hbm4b:s29+s19] =	stream.strided.scatter [tilespmem:s20], [sflag:$0x3], $0xA000, s8, s19, $0x38;
	[tilespmem:$0x14500] =	vst v63  }
0x91: {  	_ =	swait.ge @!p1 [sflag:s5], $0xA000  }
0x92: {  	[sflag:s5] =	ssyncset.done @!p1 $0x0  }
0x93: {  	[sflag:s5] =	ssyncadd.s32 @!p1 $0xFFFF6000  }
0x94: {  	[tilespmem:s3], [sflag:$0x4] =	stream.linear.gather [hbm4b:s0+s3], $0x500, $0x38;
	[tilespmem:$0x14500] =	vst v63  }
0x95: {  	_ =	swait.ge [sflag:s7], $0x500  }
0x96: {  	[sflag:s7] =	ssyncset.done $0x0  }
0x97: {  	[sflag:s7] =	ssyncadd.s32 $0xFFFFFB00  }
0x98: {  	[tilespmem:s9], [sflag:$0x1] =	stream.indirect.gather [hbm4b:s2+s8], $0x20, s3, s8, $0xb8;
	[tilespmem:$0x14500] =	vst v63  }
0x99: {  	s5 =	rddreg [dreg:$0x5]  }
0x9a: {  	[tilespmem:s5], [sflag:$0x1] =	stream.indirect.gather [hbm4b:s2+s8], $0x20, s8, s8, $0xb8;
	[tilespmem:$0x14500] =	vst v63  }
0x9b: {  	s29 =	rddreg [dreg:$0x6]  }
0x9c: {  	[tilespmem:s29], [sflag:$0x1] =	stream.indirect.gather [hbm4b:s2+s8], $0x20, s10, s8, $0xb8;
	[tilespmem:$0x14500] =	vst v63  }
0x9d: {  	s5 =	rddreg [dreg:$0x7]  }
0x9e: {  	[tilespmem:s5], [sflag:$0x1] =	stream.indirect.gather [hbm4b:s2+s8], $0x20, s11, s8, $0xb8;
	[tilespmem:$0x14500] =	vst v63  }
0x9f: {  	s29 =	rddreg [dreg:$0x8]  }
0xa0: {  	[tilespmem:s29], [sflag:$0x1] =	stream.indirect.gather [hbm4b:s2+s8], $0x20, s12, s8, $0xb8;
	[tilespmem:$0x14500] =	vst v63  }
0xa1: {  	s5 =	rddreg [dreg:$0x9]  }
0xa2: {  	[tilespmem:s5], [sflag:$0x1] =	stream.indirect.gather [hbm4b:s2+s8], $0x20, s13, s8, $0xb8;
	[tilespmem:$0x14500] =	vst v63  }
0xa3: {  	s29 =	rddreg [dreg:$0xa]  }
0xa4: {  	[tilespmem:s29], [sflag:$0x1] =	stream.indirect.gather [hbm4b:s2+s8], $0x20, s14, s8, $0xb8;
	[tilespmem:$0x14500] =	vst v63  }
0xa5: {  	s5 =	rddreg [dreg:$0xb]  }
0xa6: {  	[tilespmem:s5], [sflag:$0x1] =	stream.indirect.gather [hbm4b:s2+s8], $0x20, s15, s8, $0xb8;
	[tilespmem:$0x14500] =	vst v63  }
0xa7: {  	s29 =	rddreg [dreg:$0xc]  }
0xa8: {  	[tilespmem:s29], [sflag:$0x1] =	stream.indirect.gather [hbm4b:s2+s8], $0x20, s16, s8, $0xb8;
	[tilespmem:$0x14500] =	vst v63  }
0xa9: {  	s5 =	rddreg [dreg:$0xd]  }
0xaa: {  	[tilespmem:s5], [sflag:$0x1] =	stream.indirect.gather [hbm4b:s2+s8], $0x20, s17, s8, $0xb8;
	[tilespmem:$0x14500] =	vst v63  }
0xab: {  	_ =	swait.ge [sflag:s18], $0x1000  }
0xac: {  	[sflag:s18] =	ssyncset.done $0x0  }
0xad: {  	[sflag:s18] =	ssyncadd.s32 $0xFFFFF000  }
0xae: {  	_ =	swait.ge [sflag:s18], $0x1000  }
0xaf: {  	[sflag:s18] =	ssyncset.done $0x0  }
0xb0: {  	[sflag:s18] =	ssyncadd.s32 $0xFFFFF000  }
0xb1: {  	_ =	swait.ge [sflag:s18], $0x1000  }
0xb2: {  	[sflag:s18] =	ssyncset.done $0x0  }
0xb3: {  	[sflag:s18] =	ssyncadd.s32 $0xFFFFF000  }
0xb4: {  	_ =	swait.ge [sflag:s18], $0x1000  }
0xb5: {  	[sflag:s18] =	ssyncset.done $0x0  }
0xb6: {  	[sflag:s18] =	ssyncadd.s32 $0xFFFFF000  }
0xb7: {  	_ =	swait.ge [sflag:s18], $0x1000  }
0xb8: {  	[sflag:s18] =	ssyncset.done $0x0  }
0xb9: {  	[sflag:s18] =	ssyncadd.s32 $0xFFFFF000  }
0xba: {  	_ =	swait.ge [sflag:s18], $0x1000  }
0xbb: {  	[sflag:s18] =	ssyncset.done $0x0  }
0xbc: {  	[sflag:s18] =	ssyncadd.s32 $0xFFFFF000  }
0xbd: {  	_ =	swait.ge [sflag:s18], $0x1000  }
0xbe: {  	[sflag:s18] =	ssyncset.done $0x0  }
0xbf: {  	[sflag:s18] =	ssyncadd.s32 $0xFFFFF000  }
0xc0: {  	_ =	swait.ge [sflag:s18], $0x1000  }
0xc1: {  	[sflag:s18] =	ssyncset.done $0x0  }
0xc2: {  	[sflag:s18] =	ssyncadd.s32 $0xFFFFF000  }
0xc3: {  	_ =	swait.ge [sflag:s18], $0x1000  }
0xc4: {  	[sflag:s18] =	ssyncset.done $0x0  }
0xc5: {  	[sflag:s18] =	ssyncadd.s32 $0xFFFFF000  }
0xc6: {  	_ =	swait.ge [sflag:s18], $0x1000  }
0xc7: {  	s28 =	smov.u32 s31;
	s5 =	rddreg [dreg:$0x4];
	[sflag:s18] =	ssyncset.done $0x0  }
0xc8: {  	s29 =	simm.s32 @!p1 $0x3;
	[sflag:s18] =	ssyncadd.s32 $0xFFFFF000;
	s5 =	sadd.s32 s28, s5  }
0xc9: {  	[hbm4b:s5+s19] =	stream.strided.scatter [tilespmem:s9], [sflag:$0x2], $0xA000, s8, s19, $0x38;
	[tilespmem:$0x14500] =	vst v63  }
0xca: {  	_ =	swait.ge @!p1 [sflag:s29], $0xA000  }
0xcb: {  	[sflag:s29] =	ssyncset.done @!p1 $0x0  }
0xcc: {  	[sflag:s29] =	ssyncadd.s32 @!p1 $0xFFFF6000  }
0xcd: {  	[tilespmem:s3], [sflag:$0x4] =	stream.linear.gather [hbm4b:s1+s3], $0x500, $0x38;
	[tilespmem:$0x14500] =	vst v63  }
0xce: {  	_ =	swait.ge [sflag:s7], $0x500  }
0xcf: {  	[sflag:s7] =	ssyncset.done $0x0  }
0xd0: {  	[sflag:s7] =	ssyncadd.s32 $0xFFFFFB00  }
0xd1: {  	[tilespmem:s20], [sflag:$0x1] =	stream.indirect.gather [hbm4b:s2+s8], $0x20, s3, s8, $0xb8;
	[tilespmem:$0x14500] =	vst v63  }
0xd2: {  	s5 =	rddreg [dreg:$0xe]  }
0xd3: {  	[tilespmem:s5], [sflag:$0x1] =	stream.indirect.gather [hbm4b:s2+s8], $0x20, s8, s8, $0xb8;
	[tilespmem:$0x14500] =	vst v63  }
0xd4: {  	s29 =	rddreg [dreg:$0xf]  }
0xd5: {  	[tilespmem:s29], [sflag:$0x1] =	stream.indirect.gather [hbm4b:s2+s8], $0x20, s10, s8, $0xb8;
	[tilespmem:$0x14500] =	vst v63  }
0xd6: {  	s5 =	rddreg [dreg:$0x10]  }
0xd7: {  	[tilespmem:s5], [sflag:$0x1] =	stream.indirect.gather [hbm4b:s2+s8], $0x20, s11, s8, $0xb8;
	[tilespmem:$0x14500] =	vst v63  }
0xd8: {  	_ = 	snop  }
0xd9: {  	[tilespmem:s21], [sflag:$0x1] =	stream.indirect.gather [hbm4b:s2+s8], $0x20, s12, s8, $0xb8;
	[tilespmem:$0x14500] =	vst v63  }
0xda: {  	_ = 	snop  }
0xdb: {  	[tilespmem:s22], [sflag:$0x1] =	stream.indirect.gather [hbm4b:s2+s8], $0x20, s13, s8, $0xb8;
	[tilespmem:$0x14500] =	vst v63  }
0xdc: {  	_ = 	snop  }
0xdd: {  	[tilespmem:s23], [sflag:$0x1] =	stream.indirect.gather [hbm4b:s2+s8], $0x20, s14, s8, $0xb8;
	[tilespmem:$0x14500] =	vst v63  }
0xde: {  	_ = 	snop  }
0xdf: {  	[tilespmem:s24], [sflag:$0x1] =	stream.indirect.gather [hbm4b:s2+s8], $0x20, s15, s8, $0xb8;
	[tilespmem:$0x14500] =	vst v63  }
0xe0: {  	_ = 	snop  }
0xe1: {  	[tilespmem:s25], [sflag:$0x1] =	stream.indirect.gather [hbm4b:s2+s8], $0x20, s16, s8, $0xb8;
	[tilespmem:$0x14500] =	vst v63  }
0xe2: {  	_ = 	snop  }
0xe3: {  	[tilespmem:s26], [sflag:$0x1] =	stream.indirect.gather [hbm4b:s2+s8], $0x20, s17, s8, $0xb8;
	[tilespmem:$0x14500] =	vst v63  }
0xe4: {  	_ =	swait.ge [sflag:s18], $0x1000  }
0xe5: {  	[sflag:s18] =	ssyncset.done $0x0  }
0xe6: {  	[sflag:s18] =	ssyncadd.s32 $0xFFFFF000  }
0xe7: {  	_ =	swait.ge [sflag:s18], $0x1000  }
0xe8: {  	[sflag:s18] =	ssyncset.done $0x0  }
0xe9: {  	[sflag:s18] =	ssyncadd.s32 $0xFFFFF000  }
0xea: {  	_ =	swait.ge [sflag:s18], $0x1000  }
0xeb: {  	[sflag:s18] =	ssyncset.done $0x0  }
0xec: {  	[sflag:s18] =	ssyncadd.s32 $0xFFFFF000  }
0xed: {  	_ =	swait.ge [sflag:s18], $0x1000  }
0xee: {  	[sflag:s18] =	ssyncset.done $0x0  }
0xef: {  	[sflag:s18] =	ssyncadd.s32 $0xFFFFF000  }
0xf0: {  	_ =	swait.ge [sflag:s18], $0x1000  }
0xf1: {  	[sflag:s18] =	ssyncset.done $0x0  }
0xf2: {  	[sflag:s18] =	ssyncadd.s32 $0xFFFFF000  }
0xf3: {  	_ =	swait.ge [sflag:s18], $0x1000  }
0xf4: {  	[sflag:s18] =	ssyncset.done $0x0  }
0xf5: {  	[sflag:s18] =	ssyncadd.s32 $0xFFFFF000  }
0xf6: {  	_ =	swait.ge [sflag:s18], $0x1000  }
0xf7: {  	[sflag:s18] =	ssyncset.done $0x0  }
0xf8: {  	[sflag:s18] =	ssyncadd.s32 $0xFFFFF000  }
0xf9: {  	_ =	swait.ge [sflag:s18], $0x1000  }
0xfa: {  	[sflag:s18] =	ssyncset.done $0x0  }
0xfb: {  	s31 =	smov.u32 s4;
	s4 =	sadd.s32 $0xA000, s4;
	[sflag:s18] =	ssyncadd.s32 $0xFFFFF000  }
0xfc: {  	p0 =	sne.s32 s4, $0x64000;
	_ =	swait.ge [sflag:s18], $0x1000  }
.Ltmp0:
0xfd: {  	[sflag:s18] =	ssyncset.done $0x0;
	(pc) =	sbr.rel @p0 .LBB2_2-.Ltmp0, $4  }
0xfe: {  	[sflag:s18] =	ssyncadd.s32 $0xFFFFF000  }
0xff: {  	_ =	swait.ge [sflag:s18], $0x1000  }
0x100: {  	s0 =	sadd.s32 $0x140, s0;
	p1 =	seq.s32 s31, $0x0;
	[sflag:s18] =	ssyncset.done $0x0  }
0x101: {  	s1 =	sadd.s32 $0x140, s1;
	s29 =	rddreg [dreg:$0x3];
	[sflag:s18] =	ssyncadd.s32 $0xFFFFF000  }
0x102: {  	s4 =	sadd.s32 s28, s29  }
0x103: {  	[hbm4b:s4+s19] =	stream.strided.scatter [tilespmem:s20], [sflag:$0x3], $0xA000, s8, s19, $0x38;
	[tilespmem:$0x14500] =	vst v63  }
0x104: {  	s4 =	simm.s32 @!p1 $0x2  }
0x105: {  	_ =	swait.ge @!p1 [sflag:s4], $0xA000  }
0x106: {  	[sflag:s4] =	ssyncset.done @!p1 $0x0  }
0x107: {  	[sflag:s4] =	ssyncadd.s32 @!p1 $0xFFFF6000  }
0x108: {  	[tilespmem:s3], [sflag:$0x4] =	stream.linear.gather [hbm4b:s0+s3], $0x500, $0x38;
	[tilespmem:$0x14500] =	vst v63  }
0x109: {  	_ =	swait.ge [sflag:s7], $0x500  }
0x10a: {  	[sflag:s7] =	ssyncset.done $0x0  }
0x10b: {  	[sflag:s7] =	ssyncadd.s32 $0xFFFFFB00  }
0x10c: {  	[tilespmem:s9], [sflag:$0x1] =	stream.indirect.gather [hbm4b:s2+s8], $0x20, s3, s8, $0xb8;
	[tilespmem:$0x14500] =	vst v63  }
0x10d: {  	s5 =	rddreg [dreg:$0x5]  }
0x10e: {  	[tilespmem:s5], [sflag:$0x1] =	stream.indirect.gather [hbm4b:s2+s8], $0x20, s8, s8, $0xb8;
	[tilespmem:$0x14500] =	vst v63  }
0x10f: {  	s28 =	rddreg [dreg:$0x6]  }
0x110: {  	[tilespmem:s28], [sflag:$0x1] =	stream.indirect.gather [hbm4b:s2+s8], $0x20, s10, s8, $0xb8;
	[tilespmem:$0x14500] =	vst v63  }
0x111: {  	s29 =	rddreg [dreg:$0x7]  }
0x112: {  	[tilespmem:s29], [sflag:$0x1] =	stream.indirect.gather [hbm4b:s2+s8], $0x20, s11, s8, $0xb8;
	[tilespmem:$0x14500] =	vst v63  }
0x113: {  	s5 =	rddreg [dreg:$0x8]  }
0x114: {  	[tilespmem:s5], [sflag:$0x1] =	stream.indirect.gather [hbm4b:s2+s8], $0x20, s12, s8, $0xb8;
	[tilespmem:$0x14500] =	vst v63  }
0x115: {  	s28 =	rddreg [dreg:$0x9]  }
0x116: {  	[tilespmem:s28], [sflag:$0x1] =	stream.indirect.gather [hbm4b:s2+s8], $0x20, s13, s8, $0xb8;
	[tilespmem:$0x14500] =	vst v63  }
0x117: {  	s29 =	rddreg [dreg:$0xa]  }
0x118: {  	[tilespmem:s29], [sflag:$0x1] =	stream.indirect.gather [hbm4b:s2+s8], $0x20, s14, s8, $0xb8;
	[tilespmem:$0x14500] =	vst v63  }
0x119: {  	s5 =	rddreg [dreg:$0xb]  }
0x11a: {  	[tilespmem:s5], [sflag:$0x1] =	stream.indirect.gather [hbm4b:s2+s8], $0x20, s15, s8, $0xb8;
	[tilespmem:$0x14500] =	vst v63  }
0x11b: {  	s28 =	rddreg [dreg:$0xc]  }
0x11c: {  	[tilespmem:s28], [sflag:$0x1] =	stream.indirect.gather [hbm4b:s2+s8], $0x20, s16, s8, $0xb8;
	[tilespmem:$0x14500] =	vst v63  }
0x11d: {  	s29 =	rddreg [dreg:$0xd]  }
0x11e: {  	[tilespmem:s29], [sflag:$0x1] =	stream.indirect.gather [hbm4b:s2+s8], $0x20, s17, s8, $0xb8;
	[tilespmem:$0x14500] =	vst v63  }
0x11f: {  	_ =	swait.ge [sflag:s18], $0x1000  }
0x120: {  	[sflag:s18] =	ssyncset.done $0x0  }
0x121: {  	[sflag:s18] =	ssyncadd.s32 $0xFFFFF000  }
0x122: {  	_ =	swait.ge [sflag:s18], $0x1000  }
0x123: {  	[sflag:s18] =	ssyncset.done $0x0  }
0x124: {  	[sflag:s18] =	ssyncadd.s32 $0xFFFFF000  }
0x125: {  	_ =	swait.ge [sflag:s18], $0x1000  }
0x126: {  	[sflag:s18] =	ssyncset.done $0x0  }
0x127: {  	[sflag:s18] =	ssyncadd.s32 $0xFFFFF000  }
0x128: {  	_ =	swait.ge [sflag:s18], $0x1000  }
0x129: {  	[sflag:s18] =	ssyncset.done $0x0  }
0x12a: {  	[sflag:s18] =	ssyncadd.s32 $0xFFFFF000  }
0x12b: {  	_ =	swait.ge [sflag:s18], $0x1000  }
0x12c: {  	[sflag:s18] =	ssyncset.done $0x0  }
0x12d: {  	[sflag:s18] =	ssyncadd.s32 $0xFFFFF000  }
0x12e: {  	_ =	swait.ge [sflag:s18], $0x1000  }
0x12f: {  	[sflag:s18] =	ssyncset.done $0x0  }
0x130: {  	[sflag:s18] =	ssyncadd.s32 $0xFFFFF000  }
0x131: {  	_ =	swait.ge [sflag:s18], $0x1000  }
0x132: {  	[sflag:s18] =	ssyncset.done $0x0  }
0x133: {  	[sflag:s18] =	ssyncadd.s32 $0xFFFFF000  }
0x134: {  	_ =	swait.ge [sflag:s18], $0x1000  }
0x135: {  	[sflag:s18] =	ssyncset.done $0x0  }
0x136: {  	[sflag:s18] =	ssyncadd.s32 $0xFFFFF000  }
0x137: {  	_ =	swait.ge [sflag:s18], $0x1000  }
0x138: {  	[sflag:s18] =	ssyncset.done $0x0  }
0x139: {  	[sflag:s18] =	ssyncadd.s32 $0xFFFFF000  }
0x13a: {  	_ =	swait.ge [sflag:s18], $0x1000  }
0x13b: {  	s5 =	rddreg [dreg:$0x4];
	[sflag:s18] =	ssyncset.done $0x0  }
0x13c: {  	[sflag:s18] =	ssyncadd.s32 $0xFFFFF000;
	s0 =	sadd.s32 s31, s5  }
0x13d: {  	[hbm4b:s0+s19] =	stream.strided.scatter [tilespmem:s9], [sflag:$0x2], $0xA000, s8, s19, $0x38;
	[tilespmem:$0x14500] =	vst v63  }
0x13e: {  	s0 =	simm.s32 @!p1 $0x3  }
0x13f: {  	_ =	swait.ge @!p1 [sflag:s0], $0xA000  }
0x140: {  	[sflag:s0] =	ssyncset.done @!p1 $0x0  }
0x141: {  	[sflag:s0] =	ssyncadd.s32 @!p1 $0xFFFF6000  }
0x142: {  	[tilespmem:s3], [sflag:$0x4] =	stream.linear.gather [hbm4b:s1+s3], $0x500, $0x38;
	[tilespmem:$0x14500] =	vst v63  }
0x143: {  	_ =	swait.ge [sflag:s7], $0x500  }
0x144: {  	[sflag:s7] =	ssyncset.done $0x0  }
0x145: {  	[sflag:s7] =	ssyncadd.s32 $0xFFFFFB00  }
0x146: {  	[tilespmem:s20], [sflag:$0x1] =	stream.indirect.gather [hbm4b:s2+s8], $0x20, s3, s8, $0xb8;
	[tilespmem:$0x14500] =	vst v63  }
0x147: {  	s28 =	rddreg [dreg:$0xe]  }
0x148: {  	[tilespmem:s28], [sflag:$0x1] =	stream.indirect.gather [hbm4b:s2+s8], $0x20, s8, s8, $0xb8;
	[tilespmem:$0x14500] =	vst v63  }
0x149: {  	s29 =	rddreg [dreg:$0xf]  }
0x14a: {  	[tilespmem:s29], [sflag:$0x1] =	stream.indirect.gather [hbm4b:s2+s8], $0x20, s10, s8, $0xb8;
	[tilespmem:$0x14500] =	vst v63  }
0x14b: {  	s4 =	rddreg [dreg:$0x10]  }
0x14c: {  	[tilespmem:s4], [sflag:$0x1] =	stream.indirect.gather [hbm4b:s2+s8], $0x20, s11, s8, $0xb8;
	[tilespmem:$0x14500] =	vst v63  }
0x14d: {  	_ = 	snop  }
0x14e: {  	[tilespmem:s21], [sflag:$0x1] =	stream.indirect.gather [hbm4b:s2+s8], $0x20, s12, s8, $0xb8;
	[tilespmem:$0x14500] =	vst v63  }
0x14f: {  	_ = 	snop  }
0x150: {  	[tilespmem:s22], [sflag:$0x1] =	stream.indirect.gather [hbm4b:s2+s8], $0x20, s13, s8, $0xb8;
	[tilespmem:$0x14500] =	vst v63  }
0x151: {  	_ = 	snop  }
0x152: {  	[tilespmem:s23], [sflag:$0x1] =	stream.indirect.gather [hbm4b:s2+s8], $0x20, s14, s8, $0xb8;
	[tilespmem:$0x14500] =	vst v63  }
0x153: {  	_ = 	snop  }
0x154: {  	[tilespmem:s24], [sflag:$0x1] =	stream.indirect.gather [hbm4b:s2+s8], $0x20, s15, s8, $0xb8;
	[tilespmem:$0x14500] =	vst v63  }
0x155: {  	_ = 	snop  }
0x156: {  	[tilespmem:s25], [sflag:$0x1] =	stream.indirect.gather [hbm4b:s2+s8], $0x20, s16, s8, $0xb8;
	[tilespmem:$0x14500] =	vst v63  }
0x157: {  	_ = 	snop  }
0x158: {  	[tilespmem:s26], [sflag:$0x1] =	stream.indirect.gather [hbm4b:s2+s8], $0x20, s17, s8, $0xb8;
	[tilespmem:$0x14500] =	vst v63  }
0x159: {  	_ =	swait.ge [sflag:s18], $0x1000  }
0x15a: {  	[sflag:s18] =	ssyncset.done $0x0  }
0x15b: {  	[sflag:s18] =	ssyncadd.s32 $0xFFFFF000  }
0x15c: {  	_ =	swait.ge [sflag:s18], $0x1000  }
0x15d: {  	[sflag:s18] =	ssyncset.done $0x0  }
0x15e: {  	[sflag:s18] =	ssyncadd.s32 $0xFFFFF000  }
0x15f: {  	_ =	swait.ge [sflag:s18], $0x1000  }
0x160: {  	[sflag:s18] =	ssyncset.done $0x0  }
0x161: {  	[sflag:s18] =	ssyncadd.s32 $0xFFFFF000  }
0x162: {  	_ =	swait.ge [sflag:s18], $0x1000  }
0x163: {  	[sflag:s18] =	ssyncset.done $0x0  }
0x164: {  	[sflag:s18] =	ssyncadd.s32 $0xFFFFF000  }
0x165: {  	_ =	swait.ge [sflag:s18], $0x1000  }
0x166: {  	[sflag:s18] =	ssyncset.done $0x0  }
0x167: {  	[sflag:s18] =	ssyncadd.s32 $0xFFFFF000  }
0x168: {  	_ =	swait.ge [sflag:s18], $0x1000  }
0x169: {  	[sflag:s18] =	ssyncset.done $0x0  }
0x16a: {  	[sflag:s18] =	ssyncadd.s32 $0xFFFFF000  }
0x16b: {  	_ =	swait.ge [sflag:s18], $0x1000  }
0x16c: {  	[sflag:s18] =	ssyncset.done $0x0  }
0x16d: {  	[sflag:s18] =	ssyncadd.s32 $0xFFFFF000  }
0x16e: {  	_ =	swait.ge [sflag:s18], $0x1000  }
0x16f: {  	[sflag:s18] =	ssyncset.done $0x0  }
0x170: {  	[sflag:s18] =	ssyncadd.s32 $0xFFFFF000  }
0x171: {  	_ =	swait.ge [sflag:s18], $0x1000  }
0x172: {  	[sflag:s18] =	ssyncset.done $0x0  }
0x173: {  	[sflag:s18] =	ssyncadd.s32 $0xFFFFF000  }
0x174: {  	_ =	swait.ge [sflag:s18], $0x1000  }
0x175: {  	s5 =	rddreg [dreg:$0x3];
	[sflag:s18] =	ssyncset.done $0x0  }
0x176: {  	s28 =	simm.s32 $0x2;
	s0 =	sadd.s32 s31, s5;
	[sflag:s18] =	ssyncadd.s32 $0xFFFFF000  }
0x177: {  	[hbm4b:s0+s19] =	stream.strided.scatter [tilespmem:s20], [sflag:$0x3], $0xA000, s8, s19, $0x38;
	[tilespmem:$0x14500] =	vst v63  }
0x178: {  	_ =	swait.ge [sflag:s28], $0xA000  }
0x179: {  	[sflag:s28] =	ssyncset.done $0x0  }
0x17a: {  	s29 =	simm.s32 $0x3;
	[sflag:s28] =	ssyncadd.s32 $0xFFFF6000  }
0x17b: {  	_ =	swait.ge [sflag:s29], $0xA000  }
0x17c: {  	s30 =	sadd.s32 $0x1, s30;
	s31 =	rddreg [dreg:$0x11]  }
0x17d: {  	p0 =	sne.s32 s30, s31  }
.Ltmp1:
0x17e: {  	_ = 	snop;
	(pc) =	sbr.rel @p0 .LBB2_1-.Ltmp1, $3  }
0x17f: {  	_ =	sdelay $0x1  }
0x180: {  	[sflag:s29] =	ssyncset.done $0x0  }
0x181: {  	[sflag:s29] =	ssyncadd.s32 $0xFFFF6000  }
0x182: {  	_ =	sfence.sel $0x180000  }
0x183: {  	[bflag:$0x0] =	sbarrier.arrive $0xFFFF  }
0x184: {  	_ =	strace $0x90000047  }
0x185: {  	s0 =	stileid.u32;
	[bflag:$0x2] =	sbarrier.arrive $0xFFFF  }
0x186: {  	p0 =	sne.s32 s0, $0x0;
	s0 =	rddreg [dreg:$0x2]  }
0x187: {  	s0 =	sadd.s32 @!p0 $0x100000, s0  }
0x188: {  	[sflag:s0] =	ssyncadd.tile.s32 @!p0 $0x1;
	_ =	shalt  }
.Lfunc_end2:
_tile_overlayer_lowered:
.L_overlay_start_2:
0x189: {  	(tag) =	ssettag $0x2  }
0x18a: {  	s0 =	rddreg [dreg:$0x0];
	s2 =	stileid.u32  }
0x18b: {  	s1 =	rddreg [dreg:$0x1];
	p0 =	sne.s32 s2, $0x0  }
0x18c: {  	s3 =	rddreg [dreg:$0x2];
	[bflag:$0x3] =	sbarrier.arrive $0xFFFF;
	s2 =	simm.s32 @!p0 $0x1C04  }
0x18d: {  	[timem:s3], [sflag:s2] =	dma.local @!p0 [hbm:s0], s1  }
0x18e: {  	s0 =	simm.s32 @!p0 $0x4  }
0x18f: {  	_ =	swait.ge @!p0 [sflag:s0], s1  }
0x190: {  	s1 =	ssub.s32 @!p0 $0x0, s1;
	[sflag:s0] =	ssyncset.done @!p0 $0x0  }
0x191: {  	[sflag:s0] =	ssyncadd.s32 @!p0 s1  }
0x192: {  	[bflag:$0x3] =	sbarrier.arrive $0xFFFF  }
0x193: {  	_ =	shalt  }

// kernel: sparse-core-data-format-call.cloned.1.call-start
scs
called_computation_lowered:
.L_overlay_start_0:
0x0: {  	s2 =	sld [smem:$0x3FD9]  }
0x1: {  	s3 =	sld [smem:$0x3FFE];
	_ =	sdelay $0x1  }
0x2: {  	s1 =	srdreg.scid  }
0x3: {  	s0 =	sand.u32 $0x1, s1  }
0x4: {  	s18 =	sshll.u32 s0, $0xA;
	s2 =	sadd.s32 s3, s2  }
0x5: {  	s2 =	sadd.s32 s2, s18  }
0x6: {  	[smem:$0x3FC5] =	sst s2  }
0x7: {  	_ = 	snop  }
0x8: {  	s2 =	sld [smem:$0x3FD0];
	(tm) =	ssettm $0x1  }
0x9: {  	s19 =	sld [smem:$0x3FFB];
	_ =	sdelay $0x3  }
0xa: {  	_ =	strace s19  }
0xb: {  	s3 =	sld [smem:$0x3FFC];
	_ =	sdelay $0x3  }
0xc: {  	_ =	strace s3  }
0xd: {  	s3 =	sld [smem:$0x3FFD];
	_ =	sdelay $0x3  }
0xe: {  	_ =	strace s3  }
0xf: {  	_ =	strace $0x8FFFFFFF  }
0x10: {  	s20 =	sld [smem:$0x3FDB];
	_ =	sdelay $0x1  }
0x11: {  	s4 =	simm.s32 $_scs_section_size  }
0x12: {  	s5 =	simm.s32 $_size__tile_overlayer_lowered;
	s6 =	simm.s32 $_tile_overlayer_lowered  }
0x13: {  	s23 =	simm.s32 $0x1BFF;
	s22 =	sshll.u32 s6, $0x1;
	s3 =	sadd.s32 s4, s20  }
0x14: {  	s7 =	simm.s32 $0x0;
	s21 =	sshll.u32 s5, $0x1;
	s5 =	sadd.s32 s22, s3  }
0x15: {  	[timem:s7], [sflag:s23] =	dma.local [hbm:s5], s21  }
0x16: {  	_ =	swait.ge [sflag:s23], s21  }
0x17: {  	s4 =	ssub.s32 $0x0, s21;
	[sflag:s23] =	ssyncset.done $0x0  }
0x18: {  	[sflag:s23] =	ssyncadd.s32 s4;
	_ =	sdelay $0x1  }
0x19: {  	s24 =	simm.s32 $0x1B8B  }
0x1a: {  	_ =	swait.ge [sflag:s24], $0x1  }
0x1b: {  	[sflag:s24] =	ssyncset.done $0x0  }
0x1c: {  	s26 =	simm.s32 $0x1B8E;
	s25 =	sld [smem:$0x3FFE];
	[sflag:s24] =	ssyncadd.s32 $0xFFFFFFFF  }
0x1d: {  	s27 =	simm.s32 $execute0_lowered;
	[smem:$0x3FD2] =	sst s26  }
0x1e: {  	s5 =	sshll.u32 s27, $0x1;
	_ =	strace $0x80000049;
	[dreg:$0x1] =	wrdreg $0xFFFFFFFF  }
0x1f: {  	s28 =	simm.s32 $_size_execute0_lowered;
	s3 =	sadd.s32 s3, s5;
	[dreg:$0x0] =	wrdreg $0x0  }
0x20: {  	s5 =	sshll.u32 s28, $0x1;
	[dreg:$0x2] =	wrdreg s3  }
0x21: {  	[dreg:$0x3] =	wrdreg s5  }
0x22: {  	[dreg:$0x4] =	wrdreg $0xC0  }
0x23: {  	_ =	task [dreg:s7], $0x5FFFF  }
0x24: {  	[dreg:$0x1] =	wrdreg $0xFFFFFFFF  }
0x25: {  	[dreg:$0x0] =	wrdreg $0x60  }
0x26: {  	[dreg:$0x2] =	wrdreg s25  }
0x27: {  	[dreg:$0x3] =	wrdreg s2  }
0x28: {  	[dreg:$0x4] =	wrdreg $0x9  }
0x29: {  	_ =	task.clear_ibuf [dreg:s7], $0x5FFFF;
	_ =	strace $0x90000049  }
0x2a: {  	s29 =	simm.s32 $0x9;
	_ =	strace $0x8000004B  }
0x2b: {  	_ =	swait.ge [sflag:s29], $0x1  }
0x2c: {  	[sflag:s29] =	ssyncadd.s32 $0xFFFFFFFF  }
0x2d: {  	_ =	strace $0x9000004B  }
0x2e: {  	_ =	sfence  }
0x2f: {  	s30 =	sld [smem:$0x0];
	_ =	sdelay $0x2  }
0x30: {  	s31 =	sshll.u32 s1, $0xD;
	s1 =	sshrl.u32 s1, $0x2  }
0x31: {  	s3 =	sand.u32 $0x4000, s31;
	s1 =	sadd.s32 s1, s30  }
0x32: {  	s0 =	sor.u32 s3, s0;
	s1 =	sshll.u32 s1, $0x11  }
0x33: {  	s0 =	sor.u32 s1, s0  }
0x34: {  	s0 =	sadd.s32 $0x8F2B, s0  }
0x35: {  	[sflag:s0] =	ssyncadd.remote.s32 $0x1  }
0x36: {  	_ =	sfence.sel $0xFFFF  }
0x37: {  	[dreg:$0x0] =	wrdreg $0xFFFFFFFF;
	(pc) =	sbr.abs _section_cstart, $3  }
0x38: {  	[dreg:$0x1] =	wrdreg $0xFFFFFFFF  }
0x39: {  	_ =	task.clear_ibuf [dreg:s7], $0x2FFFF;
	_ =	strace $0x9FFFFFFF  }
0x3a: {  	(tm) =	ssettm $0x7FFFFFFF  }
0x3b: {  	_ =	shalt  }
tec
execute0_lowered:
.L_overlay_start_1:
0x0: {  	(tag) =	ssettag $0x1  }
0x1: {  	s0 =	srdreg.scid  }
0x2: {  	s1 =	sshll.u32 s0, $0x4  }
0x3: {  	s0 =	stileid.u32;
	s1 =	sand.u32 $0x10, s1  }
0x4: {  	s1 =	sor.u32 s0, s1  }
0x5: {  	s6 =	rddreg [dreg:$0x0];
	s4 =	simm.s32 $0x1;
	s2 =	sshll.u32 s1, $0x7  }
0x6: {  	s7 =	simm.s32 $0x2;
	s12 =	simm.s32 $0x0;
	s1 =	ssub.s32 $0x1000, s2  }
0x7: {  	s8 =	simm.s32 $0x8000;
	s13 =	simm.s32 $0x0;
	s3 =	sand.u32 $0xF80, s1  }
0x8: {  	s9 =	simm.s32 $0x0;
	s5 =	sshrl.u32 s1, $0xC;
	p0 =	sne.s32 s3, $0x0  }
.Ltmp0:
0x9: {  	s1 =	rddreg [dreg:$0x2];
	s4 =	simm.s32 @!p0 $0x0;
	(pc) =	sbr.rel .LBB1_1-.Ltmp0, $4  }
0xa: {  	s11 =	simm.s32 $0x0;
	s3 =	rddreg [dreg:$0x1];
	s5 =	sadd.s32 s4, s5  }
0xb: {  	_ =	strace $0x8000004A;
	s4 =	simm.s32 $0x1;
	s5 =	smul.u32 $0xC8, s5  }
0xc: {  	s6 =	sadd.s32 $0x1AC00, s6;
	s10 =	smov.u32 s2;
	[sflag:s4] =	ssyncpa.u1 $0x0  }
0xd: {  	p0 =	por $0x0, $0x0;
	[sflag:s7] =	ssyncpa.u1 $0x0;
	s7 =	sor.u32 $0x1, s5  }
.LBB1_4:
0xe: {  	s16 =	sshll.u32 s13, $0x3;
	s17 =	sand.u32 $0x78, s13  }
0xf: {  	s30 =	sand.u32 $0x3E00, s13;
	s12 =	sshll.u32 s12, $0xE;
	s16 =	sand.u32 $0xC00, s16  }
0x10: {  	s31 =	sand.u32 $0x7, s13;
	s16 =	sor.u32 s17, s16;
	s17 =	sadd.s32 s3, s30  }
0x11: {  	s13 =	sshll.u32 s31, $0x12;
	s16 =	sshrl.u32 s16, $0x3;
	s12 =	sadd.s32 s12, s17  }
0x12: {  	[tilespmem:s15+$0x0 ss:$0x81] =	vst.msk $0xffff, v0;
	s13 =	sor.u32 $0x400, s13;
	s12 =	sadd.s32 s16, s12  }
0x13: {  	[hbm4b:s12+s13] =	stream.strided.scatter [tilespmem:s14], [sflag:$0x2], $0x1000, s8, s13, $0x20;
	[tilespmem:$0x4040] =	vst v63  }
.LBB1_5:
0x14: {  	s14 =	sadd.s32 $0x1, s9  }
0x15: {  	s12 =	sadd.s32 $0x1000, s10;
	s16 =	smov.u32 s10;
	p2 =	sgt.s32 s14, $0xC7  }
0x16: {  	s16 =	smov.u32 @p2 s12  }
0x17: {  	s14 =	simm.s32 @p2 $0x0;
	p2 =	sgt.s32 s16, $0xFFF  }
0x18: {  	s16 =	smov.u32 @p2 s2;
	p2 =	sne.s32 s11, s7  }
.Ltmp1:
0x19: {  	p1 =	slt.u32 s11, $0x2;
	(pc) =	sbr.rel @!p2 .LBB1_6-.Ltmp1, $4  }
0x1a: {  	s15 =	simm.s32 @!p1 $0x2  }
0x1b: {  	s13 =	smov.u32 s10;
	p0 =	por !p0, !p0;
	_ =	swait.ge @!p1 [sflag:s15], $0x1000  }
0x1c: {  	s12 =	smov.u32 s9;
	[sflag:s15] =	ssyncset.done @!p1 $0x0;
	s9 =	smov.u32 s14  }
0x1d: {  	s11 =	sadd.s32 $0x1, s11;
	[sflag:s15] =	ssyncadd.s32 @!p1 $0xFFFFF000;
	s10 =	smov.u32 s16  }
.LBB1_1:
0x1e: {  	p1 =	sge.u32 s11, s5  }
0x1f: {  	s14 =	sand.u32 @!p1 $0x1FFFFFF, s9  }
0x20: {  	s15 =	smulhi.u32 @!p1 $0x147AE15, s14;
	_ =	sdelay $0x1  }
0x21: {  	s15 =	smul.u32 @!p1 $0xC8, s15  }
0x22: {  	s16 =	sxor.u32 @!p1 $0xFFFFFFFF, s11;
	s17 =	smul.u32 @!p1 $0xC80, s10  }
0x23: {  	s31 =	sadd.s32 $0xFFFFFFFF, s11;
	s16 =	sshll.u32 @!p1 s16, $0xC;
	s14 =	ssub.s32 @!p1 s14, s15  }
0x24: {  	s15 =	sand.u32 @!p1 $0x1000, s16;
	s16 =	sadd.s32 @!p1 s6, s17;
	s14 =	sshll.u32 @!p1 s14, $0x4  }
0x25: {  	s17 =	simm.s32 @!p1 $0x6400;
	s14 =	sadd.s32 @!p1 s14, s16;
	s16 =	simm.s32 @!p1 $0x20  }
0x26: {  	[tilespmem:s15], [sflag:$0x1] =	stream.strided.gather @!p1 [hbm4b:s14+s16], $0x1000, s17, s16, $0x38;
	[tilespmem:$0x4040] =	vst v63  }
0x27: {  	p1 =	sge.u32 s31, s5  }
.Ltmp2:
0x28: {  	_ = 	snop;
	(pc) =	sbr.rel @p1 .LBB1_5-.Ltmp2, $1  }
0x29: {  	_ =	sdelay $0x3  }
0x2a: {  	s14 =	simm.s32 $0x1  }
0x2b: {  	_ =	swait.ge [sflag:s4], $0x1000;
	s14 =	simm.s32 @!p0 $0x0  }
0x2c: {  	[sflag:s4] =	ssyncset.done $0x0;
	s15 =	sshll.u32 s14, $0xC  }
0x2d: {  	[sflag:s4] =	ssyncadd.s32 $0xFFFFF000;
	s18 =	sor.u32 $0x10, s15  }
0x2e: {  	s14 =	smul.u32 $0x4080, s14;
	v1 =	vld [tilespmem:s18+$0x0]  }
0x2f: {  	s30 =	sand.u32 $0x1, s11;
	v0 =	vld [tilespmem:s18+$0xFFFFFFF0]  }
0x30: {  	s15 =	smul.u32 $0x4080, s30;
	s14 =	sshrl.u32 s14, $0x2  }
0x31: {  	s16 =	sor.u32 $0x2000, s14  }
0x32: {  	s31 =	sshrl.u32 s15, $0x2;
	s15 =	sadd.s32 $0x0, s16  }
0x33: {  	s17 =	simm.s32 $0x4;
	s18 =	sadd.s32 $0x20, s18;
	s14 =	sor.u32 $0x2000, s31;
	[tilespmem:s15+$0x810 ss:$0x81] =	vst.msk $0xffff, v1  }
.LBB1_3:
0x34: {  	v1 =	vld [tilespmem:s18+$0x0];
	p1 =	sne.s32 s17, $0x1FC;
	[tilespmem:s15+$0x0 ss:$0x81] =	vst.msk $0xffff, v0;
	s15 =	smov.u32 s17;
	s17 =	sadd.s32 $0x4, s17  }
.Ltmp3:
0x35: {  	v0 =	vld [tilespmem:s18+$0xFFFFFFF0];
	(pc) =	sbr.rel @p1 .LBB1_3-.Ltmp3, $4  }
0x36: {  	_ = 	snop  }
0x37: {  	s15 =	sshra.s32 s15, $0x2  }
0x38: {  	s15 =	sadd.s32 s15, s16  }
0x39: {  	s18 =	sadd.s32 $0x20, s18;
	[tilespmem:s15+$0x810 ss:$0x81] =	vst.msk $0xffff, v1  }
.Ltmp4:
0x3a: {  	_ = 	snop;
	(pc) =	sbr.rel .LBB1_4-.Ltmp4, $1  }
0x3b: {  	_ =	sdelay $0x3  }
.LBB1_6:
0x3c: {  	_ =	sfence.sel $0x180000  }
0x3d: {  	s2 =	simm.s32 $0x1;
	[bflag:$0x0] =	sbarrier.arrive $0xFFFF  }
0x3e: {  	s31 =	simm.s32 $0x2;
	[sflag:s2] =	ssyncpa.u1 $0x1  }
0x3f: {  	[sflag:s31] =	ssyncpa.u1 $0x1  }
0x40: {  	p0 =	sne.s32 s0, $0x0;
	_ =	strace $0x9000004A  }
0x41: {  	s0 =	sadd.s32 @!p0 $0x100000, s1;
	[bflag:$0x2] =	sbarrier.arrive $0xFFFF  }
0x42: {  	[sflag:s0] =	ssyncadd.tile.s32 @!p0 $0x1;
	_ =	shalt  }
.Lfunc_end1:
_tile_overlayer_lowered:
.L_overlay_start_2:
0x43: {  	(tag) =	ssettag $0x2  }
0x44: {  	s0 =	rddreg [dreg:$0x0];
	s2 =	stileid.u32  }
0x45: {  	s1 =	rddreg [dreg:$0x1];
	p0 =	sne.s32 s2, $0x0  }
0x46: {  	s3 =	rddreg [dreg:$0x2];
	[bflag:$0x3] =	sbarrier.arrive $0xFFFF;
	s2 =	simm.s32 @!p0 $0x1C01  }
0x47: {  	[timem:s3], [sflag:s2] =	dma.local @!p0 [hbm:s0], s1  }
0x48: {  	s0 =	simm.s32 @!p0 $0x1  }
0x49: {  	_ =	swait.ge @!p0 [sflag:s0], s1  }
0x4a: {  	s1 =	ssub.s32 @!p0 $0x0, s1;
	[sflag:s0] =	ssyncset.done @!p0 $0x0  }
0x4b: {  	[sflag:s0] =	ssyncadd.s32 @!p0 s1  }
0x4c: {  	[bflag:$0x3] =	sbarrier.arrive $0xFFFF  }
0x4d: {  	_ =	shalt  }

</sc_bundles>
